<compile_context>
chip_gen: v7x
topology: tpu7x:2x2x1
jax: 0.10.2.dev20260603
libtpu: 0.0.44.dev20260713+nightly
codegen_flags: <defaults>
</compile_context>

<pallas_src>
import functools

import jax
import jax.numpy as jnp
from jax import lax
from jax.experimental import pallas as pl
from jax.experimental.pallas import tpu as pltpu
from jax.experimental.pallas import tpu_sc as plsc

N = 10000
E = 320000
D = 128
D_PAD = 144
NC = 2
NS = 16
CH = 128
G_TOT = 160
SPLIT0 = 128
PC = 2
E_PAD = NS * G_TOT * CH
N_PAD = 10240
ROWS_PER_TILE = N_PAD // NS


def _sc_kernel(xp_hbm, src_hbm, dst_hbm, z_hbm, parts_hbm,
               sidx, didx, rows, acc, sems):
    c = lax.axis_index("c")
    s = lax.axis_index("s")
    grps = lax.select(c == 0, jnp.int32(SPLIT0), jnp.int32(G_TOT - SPLIT0))
    pieces = grps // PC

    gbase = s * G_TOT + c * SPLIT0

    def issue_idx_piece(p, buf):
        pltpu.async_copy(src_hbm.at[pl.ds(gbase + p * PC, PC)],
                         sidx.at[buf], sems[2 + buf])
        pltpu.async_copy(dst_hbm.at[pl.ds(gbase + p * PC, PC)],
                         didx.at[buf], sems[2 + buf])

    def wait_idx_piece(buf):
        pltpu.make_async_copy(src_hbm.at[pl.ds(0, PC)], sidx.at[buf],
                              sems[2 + buf]).wait()
        pltpu.make_async_copy(dst_hbm.at[pl.ds(0, PC)], didx.at[buf],
                              sems[2 + buf]).wait()

    def issue_gather(pbuf, j, buf):
        pltpu.async_copy(xp_hbm.at[sidx.at[pbuf, j]], rows.at[buf],
                         sems[buf])

    def wait_gather(pbuf, j, buf):
        pltpu.make_async_copy(xp_hbm.at[sidx.at[pbuf, j]], rows.at[buf],
                              sems[buf]).wait()

    rbase = s * ROWS_PER_TILE
    issue_idx_piece(0, 0)
    pltpu.sync_copy(z_hbm, acc.at[pl.ds(rbase, ROWS_PER_TILE)])
    wait_idx_piece(0)
    issue_gather(0, 0, 0)
    issue_idx_piece(1, 1)
    plsc.subcore_barrier()

    def body(p2, _):
        for pp in range(2):
            p = p2 * 2 + pp
            pb = pp
            npb = 1 - pp
            for j in range(PC):
                b = j % 2
                nb = (j + 1) % 2

                if j + 1 < PC:
                    issue_gather(pb, j + 1, nb)
                else:
                    @pl.when(p + 1 < pieces)
                    def _():
                        wait_idx_piece(npb)
                        issue_gather(npb, 0, nb)

                wait_gather(pb, j, b)
                pltpu.sync_copy(rows.at[b], acc.at[didx.at[pb, j]],
                                add=True)

                if j == PC - 1:
                    @pl.when(p + 2 < pieces)
                    def _():
                        issue_idx_piece(p + 2, pb)
        return ()

    lax.fori_loop(0, pieces // 2, body, (), unroll=False)
    plsc.subcore_barrier()

    pltpu.sync_copy(acc.at[pl.ds(rbase, ROWS_PER_TILE)],
                    parts_hbm.at[c, pl.ds(rbase, ROWS_PER_TILE)])


_sc_call = functools.partial(
    pl.kernel,
    out_type=jax.ShapeDtypeStruct((NC, N_PAD, D_PAD), jnp.float32),
    mesh=plsc.VectorSubcoreMesh(core_axis_name="c", subcore_axis_name="s"),
    scratch_types=[
        pltpu.VMEM((2, PC, CH), jnp.int32),
        pltpu.VMEM((2, PC, CH), jnp.int32),
        pltpu.VMEM((2, CH, D_PAD), jnp.float32),
        pltpu.VMEM_SHARED((N_PAD, D_PAD), jnp.float32),
        [pltpu.SemaphoreType.DMA] * 4,
    ],
    compiler_params=pltpu.CompilerParams(use_tc_tiling_on_sc=False),
)(_sc_kernel)


def _tc_kernel(x_ref, parts_ref, w_ref, b_ref, a_ref, o_ref):
    p = parts_ref[0] + parts_ref[1]
    agg = x_ref[...] + p[:, :D]
    deg = p[:, D:D + 1] + 1.0
    h = jnp.dot(agg / deg, w_ref[...],
                preferred_element_type=jnp.float32) + b_ref[...]
    o_ref[...] = jnp.where(h >= 0.0, h, a_ref[...] * h)


def _tc_call(x, parts, W, b2, a2):
    B = 400
    grid = (N // B,)
    return pl.pallas_call(
        _tc_kernel,
        grid=grid,
        in_specs=[
            pl.BlockSpec((B, D), lambda i: (i, 0)),
            pl.BlockSpec((NC, B, D_PAD), lambda i: (0, i, 0)),
            pl.BlockSpec((D, D), lambda i: (0, 0)),
            pl.BlockSpec((1, D), lambda i: (0, 0)),
            pl.BlockSpec((1, D), lambda i: (0, 0)),
        ],
        out_specs=pl.BlockSpec((B, D), lambda i: (i, 0)),
        out_shape=jax.ShapeDtypeStruct((N, D), jnp.float32),
    )(x, parts, W, b2, a2)


@jax.jit
def kernel(x, edge_index, W, b, prelu_a):
    src = edge_index[0]
    dst = edge_index[1]
    xp = jnp.zeros((N_PAD, D_PAD), jnp.float32)
    xp = xp.at[:N, :D].set(x).at[:N, D].set(1.0)
    srcp = jnp.full((E_PAD,), N_PAD - 1, jnp.int32).at[:E].set(src)
    dstp = jnp.full((E_PAD,), N_PAD - 1, jnp.int32).at[:E].set(dst)
    srcp = srcp.reshape(E_PAD // CH, CH)
    dstp = dstp.reshape(E_PAD // CH, CH)
    z = jnp.zeros((ROWS_PER_TILE, D_PAD), jnp.float32)

    parts = _sc_call(xp, srcp, dstp, z)

    b2 = b.reshape(1, D)
    a2 = jnp.broadcast_to(prelu_a.reshape(1, 1), (1, D))
    return _tc_call(x, parts, W, b2, a2)

# --- scband reference (transcript-rebuilt; emitter-appended) ---
"""Pipeline reference for scband-bi-graph-contrast-layer-86981677679368 (READ-ONLY COPY).

The authoritative reference and input builder live on the scoring server;
editing this copy changes nothing except your own understanding.
"""

import jax, jax.numpy as jnp
import numpy as np

N = 10000
E = 320000
D_IN = 128
D_HID = 128


def setup_inputs(seed: int = 0) -> dict:
    key = jax.random.key(seed)
    k1, k2, k3, k4 = jax.random.split(key, 4)
    x = jax.random.normal(k1, (N, D_IN), dtype=jnp.float32)
    src = jax.random.randint(k2, (E,), 0, N, dtype=jnp.int32)
    dst = jax.random.randint(k3, (E,), 0, N, dtype=jnp.int32)
    # guarantee the max dst id == N-1 so the predict-node slice is the full node set
    dst = dst.at[-1].set(N - 1)
    edge_index = jnp.stack([src, dst], axis=0)
    # GraphConv parameters (xavier-normal-ish init) + PReLU slope
    gain = float(np.sqrt(2.0))
    std = gain * float(np.sqrt(2.0 / (D_IN + D_HID)))
    W = jax.random.normal(k4, (D_IN, D_HID), dtype=jnp.float32) * std
    b = jnp.zeros((D_HID,), dtype=jnp.float32)
    prelu_a = jnp.full((1,), 0.25, dtype=jnp.float32)
    return {"x": x, "edge_index": edge_index, "W": W, "b": b, "prelu_a": prelu_a}


def reference(x, edge_index, W, b, prelu_a):
    # dgl.to_homogeneous + add_self_loop + GraphConv(norm='right', activation=PReLU)
    src = edge_index[0]
    dst = edge_index[1]
    # in-degree including the added self loop on every node
    deg = jnp.zeros((N,), dtype=jnp.float32).at[dst].add(1.0) + 1.0
    # copy_u / sum aggregation; self loop contributes x[i] to node i
    agg = jnp.zeros((N, D_IN), dtype=jnp.float32).at[dst].add(x[src]) + x
    # norm='right': divide aggregated messages by in-degree, then linear
    h = (agg / deg[:, None]) @ W + b
    # PReLU activation (single shared slope, default 0.25)
    h = jnp.where(h >= 0, h, prelu_a * h)
    # pos_nodes: all nodes with id <= max dst id (== N-1 by construction)
    predict_node_count = h.shape[0]
    return h[:predict_node_count]

if __name__ == "__main__":
    import jax
    _d = setup_inputs()
    print(jax.jit(kernel)(*tuple(_d.values())))

</pallas_src>

<mosaic_0001>
#map = affine_map<(d0, d1) -> (0, 0)>
#map1 = affine_map<(d0, d1) -> (0, 0, 0)>
module attributes {stable_mosaic.version = 14 : i64} {
  func.func @_sc_kernel(%arg0: i32, %arg1: i32, %arg2: memref<10240x144xf32, #tpu.memory_space<hbm>>, %arg3: memref<2560x128xi32, #tpu.memory_space<hbm>>, %arg4: memref<2560x128xi32, #tpu.memory_space<hbm>>, %arg5: memref<640x144xf32, #tpu.memory_space<hbm>>, %arg6: memref<2x10240x144xf32, #tpu.memory_space<hbm>>, %arg7: memref<2x2x128xi32, #tpu.memory_space<vmem>>, %arg8: memref<2x2x128xi32, #tpu.memory_space<vmem>>, %arg9: memref<2x128x144xf32, #tpu.memory_space<vmem>>, %arg10: memref<10240x144xf32, #tpu.memory_space<vmem_shared>>, %arg11: memref<!tpu.dma_semaphore, #tpu.memory_space<semaphore_mem>>, %arg12: memref<!tpu.dma_semaphore, #tpu.memory_space<semaphore_mem>>, %arg13: memref<!tpu.dma_semaphore, #tpu.memory_space<semaphore_mem>>, %arg14: memref<!tpu.dma_semaphore, #tpu.memory_space<semaphore_mem>>) attributes {dimension_semantics = [#tpu.dimension_semantics<core_parallel>, #tpu.dimension_semantics<subcore_parallel>], iteration_bounds = array<i64: 2, 16>, scalar_prefetch = 0 : i64, scratch_operands = 8 : i64, tpu.core_type = #tpu.core_type<sc_vector_subcore>, window_params = [{transform_indices = #map}, {transform_indices = #map}, {transform_indices = #map}, {transform_indices = #map}, {transform_indices = #map1}]} {
    %eq3A = arith.constant 0 : i32
    %eq3A_0 = arith.cmpi eq, %arg0, %eq3A : i32
    %select_n3A = arith.constant 32 : i32
    %select_n3A_1 = arith.constant 128 : i32
    %select_n3A_2 = arith.select %eq3A_0, %select_n3A_1, %select_n3A : i32
    %jit3A = arith.constant 2 : i32
    %div3A = arith.divsi %select_n3A_2, %jit3A : i32
    %sign3A = arith.constant 0 : i32
    %sign3A_3 = arith.cmpi sgt, %select_n3A_2, %sign3A : i32
    %sign3A_4 = arith.extui %sign3A_3 : i1 to i32
    %sign3A_5 = arith.constant 0 : i32
    %sign3A_6 = arith.cmpi slt, %select_n3A_2, %sign3A_5 : i32
    %sign3A_7 = arith.extui %sign3A_6 : i1 to i32
    %sign3A_8 = arith.subi %sign3A_4, %sign3A_7 : i32
    %sign3A_9 = arith.constant 0 : i32
    %sign3A_10 = arith.cmpi sgt, %jit3A, %sign3A_9 : i32
    %sign3A_11 = arith.extui %sign3A_10 : i1 to i32
    %sign3A_12 = arith.constant 0 : i32
    %sign3A_13 = arith.cmpi slt, %jit3A, %sign3A_12 : i32
    %sign3A_14 = arith.extui %sign3A_13 : i1 to i32
    %sign3A_15 = arith.subi %sign3A_11, %sign3A_14 : i32
    %ne3A = arith.cmpi ne, %sign3A_8, %sign3A_15 : i32
    %rem3A = arith.remsi %select_n3A_2, %jit3A : i32
    %ne3A_16 = arith.constant 0 : i32
    %ne3A_17 = arith.cmpi ne, %rem3A, %ne3A_16 : i32
    %and3A = arith.andi %ne3A, %ne3A_17 : i1
    %sub3A = arith.constant 1 : i32
    %sub3A_18 = arith.subi %div3A, %sub3A : i32
    %select_n3A_19 = arith.select %and3A, %sub3A_18, %div3A : i32
    %mul3A = arith.constant 160 : i32
    %mul3A_20 = arith.muli %arg1, %mul3A : i32
    %mul3A_21 = arith.constant 128 : i32
    %mul3A_22 = arith.muli %arg0, %mul3A_21 : i32
    %add3A = arith.addi %mul3A_20, %mul3A_22 : i32
    %mul3A_23 = arith.constant 640 : i32
    %mul3A_24 = arith.muli %arg1, %mul3A_23 : i32
    %add3A_25 = arith.constant 0 : i32
    %add3A_26 = arith.addi %add3A, %add3A_25 : i32
    %dma_start3A = arith.constant 0 : i32
    %dma_start3A_27 = arith.constant 0 : i32
    %dma_start3A_28 = arith.constant 0 : i32
    %dma_start3A_29 = tpu.memref_slice %arg7[%dma_start3A, %dma_start3A_27, %dma_start3A_28] : memref<2x2x128xi32, #tpu.memory_space<vmem>> -> memref<1x2x128xi32, #tpu.memory_space<vmem>>
    %dma_start3A_30 = tpu.memref_squeeze %dma_start3A_29 : memref<1x2x128xi32, #tpu.memory_space<vmem>> -> memref<2x128xi32, #tpu.memory_space<vmem>>
    %dma_start3A_31 = arith.constant 0 : i32
    %dma_start3A_32 = tpu.memref_slice %arg3[%add3A_26, %dma_start3A_31] : memref<2560x128xi32, #tpu.memory_space<hbm>> -> memref<2x128xi32, #tpu.memory_space<hbm>>
    %dma_start3A_33 = arith.constant 0 : i32
    %dma_start3A_34 = arith.constant 0 : i32
    %dma_start3A_35 = tpu.memref_slice %arg7[%dma_start3A, %dma_start3A_33, %dma_start3A_34] : memref<2x2x128xi32, #tpu.memory_space<vmem>> -> memref<1x2x128xi32, #tpu.memory_space<vmem>>
    %dma_start3A_36 = tpu.memref_squeeze %dma_start3A_35 : memref<1x2x128xi32, #tpu.memory_space<vmem>> -> memref<2x128xi32, #tpu.memory_space<vmem>>
    %dma_start3A_37 = arith.constant 0 : i32
    %dma_start3A_38 = tpu.memref_slice %arg3[%add3A_26, %dma_start3A_37] : memref<2560x128xi32, #tpu.memory_space<hbm>> -> memref<2x128xi32, #tpu.memory_space<hbm>>
    tpu.enqueue_dma source(%dma_start3A_38 : memref<2x128xi32, #tpu.memory_space<hbm>>) target(%dma_start3A_36 : memref<2x128xi32, #tpu.memory_space<vmem>>) target_semaphore(%arg13 : memref<!tpu.dma_semaphore, #tpu.memory_space<semaphore_mem>>)
    %add3A_39 = arith.constant 0 : i32
    %add3A_40 = arith.addi %add3A, %add3A_39 : i32
    %dma_start3A_41 = arith.constant 0 : i32
    %dma_start3A_42 = arith.constant 0 : i32
    %dma_start3A_43 = arith.constant 0 : i32
    %dma_start3A_44 = tpu.memref_slice %arg8[%dma_start3A_41, %dma_start3A_42, %dma_start3A_43] : memref<2x2x128xi32, #tpu.memory_space<vmem>> -> memref<1x2x128xi32, #tpu.memory_space<vmem>>
    %dma_start3A_45 = tpu.memref_squeeze %dma_start3A_44 : memref<1x2x128xi32, #tpu.memory_space<vmem>> -> memref<2x128xi32, #tpu.memory_space<vmem>>
    %dma_start3A_46 = arith.constant 0 : i32
    %dma_start3A_47 = tpu.memref_slice %arg4[%add3A_40, %dma_start3A_46] : memref<2560x128xi32, #tpu.memory_space<hbm>> -> memref<2x128xi32, #tpu.memory_space<hbm>>
    %dma_start3A_48 = arith.constant 0 : i32
    %dma_start3A_49 = arith.constant 0 : i32
    %dma_start3A_50 = tpu.memref_slice %arg8[%dma_start3A_41, %dma_start3A_48, %dma_start3A_49] : memref<2x2x128xi32, #tpu.memory_space<vmem>> -> memref<1x2x128xi32, #tpu.memory_space<vmem>>
    %dma_start3A_51 = tpu.memref_squeeze %dma_start3A_50 : memref<1x2x128xi32, #tpu.memory_space<vmem>> -> memref<2x128xi32, #tpu.memory_space<vmem>>
    %dma_start3A_52 = arith.constant 0 : i32
    %dma_start3A_53 = tpu.memref_slice %arg4[%add3A_40, %dma_start3A_52] : memref<2560x128xi32, #tpu.memory_space<hbm>> -> memref<2x128xi32, #tpu.memory_space<hbm>>
    tpu.enqueue_dma source(%dma_start3A_53 : memref<2x128xi32, #tpu.memory_space<hbm>>) target(%dma_start3A_51 : memref<2x128xi32, #tpu.memory_space<vmem>>) target_semaphore(%arg13 : memref<!tpu.dma_semaphore, #tpu.memory_space<semaphore_mem>>)
    "tpu.region"() ({
      %run_scoped3A = tpu.sem_alloc : memref<!tpu.dma_semaphore, #tpu.memory_space<semaphore_mem>>
      %dma_start3A_159 = arith.constant 0 : i32
      %dma_start3A_160 = tpu.memref_slice %arg10[%mul3A_24, %dma_start3A_159] : memref<10240x144xf32, #tpu.memory_space<vmem_shared>> -> memref<640x144xf32, #tpu.memory_space<vmem_shared>>
      tpu.enqueue_dma source(%arg5 : memref<640x144xf32, #tpu.memory_space<hbm>>) target(%dma_start3A_160 : memref<640x144xf32, #tpu.memory_space<vmem_shared>>) target_semaphore(%run_scoped3A : memref<!tpu.dma_semaphore, #tpu.memory_space<semaphore_mem>>)
      %dma_wait3A_161 = arith.constant 0 : i32
      %dma_wait3A_162 = tpu.memref_slice %arg10[%mul3A_24, %dma_wait3A_161] : memref<10240x144xf32, #tpu.memory_space<vmem_shared>> -> memref<640x144xf32, #tpu.memory_space<vmem_shared>>
      tpu.wait_dma2 semaphore(%run_scoped3A : memref<!tpu.dma_semaphore, #tpu.memory_space<semaphore_mem>>) src(%arg5 : memref<640x144xf32, #tpu.memory_space<hbm>>) dst(%dma_wait3A_162 : memref<640x144xf32, #tpu.memory_space<vmem_shared>>)
      tpu.yield
    }) : () -> ()
    %dma_wait3A = arith.constant 0 : i32
    %dma_wait3A_54 = arith.constant 0 : i32
    %dma_wait3A_55 = arith.constant 0 : i32
    %dma_wait3A_56 = tpu.memref_slice %arg7[%dma_wait3A, %dma_wait3A_54, %dma_wait3A_55] : memref<2x2x128xi32, #tpu.memory_space<vmem>> -> memref<1x2x128xi32, #tpu.memory_space<vmem>>
    %dma_wait3A_57 = tpu.memref_squeeze %dma_wait3A_56 : memref<1x2x128xi32, #tpu.memory_space<vmem>> -> memref<2x128xi32, #tpu.memory_space<vmem>>
    %dma_wait3A_58 = arith.constant 0 : i32
    %dma_wait3A_59 = arith.constant 0 : i32
    %dma_wait3A_60 = tpu.memref_slice %arg3[%dma_wait3A_58, %dma_wait3A_59] : memref<2560x128xi32, #tpu.memory_space<hbm>> -> memref<2x128xi32, #tpu.memory_space<hbm>>
    %dma_wait3A_61 = arith.constant 0 : i32
    %dma_wait3A_62 = arith.constant 0 : i32
    %dma_wait3A_63 = tpu.memref_slice %arg7[%dma_wait3A, %dma_wait3A_61, %dma_wait3A_62] : memref<2x2x128xi32, #tpu.memory_space<vmem>> -> memref<1x2x128xi32, #tpu.memory_space<vmem>>
    %dma_wait3A_64 = tpu.memref_squeeze %dma_wait3A_63 : memref<1x2x128xi32, #tpu.memory_space<vmem>> -> memref<2x128xi32, #tpu.memory_space<vmem>>
    %dma_wait3A_65 = arith.constant 0 : i32
    %dma_wait3A_66 = arith.constant 0 : i32
    %dma_wait3A_67 = tpu.memref_slice %arg3[%dma_wait3A_65, %dma_wait3A_66] : memref<2560x128xi32, #tpu.memory_space<hbm>> -> memref<2x128xi32, #tpu.memory_space<hbm>>
    tpu.wait_dma2 semaphore(%arg13 : memref<!tpu.dma_semaphore, #tpu.memory_space<semaphore_mem>>) src(%dma_wait3A_67 : memref<2x128xi32, #tpu.memory_space<hbm>>) dst(%dma_wait3A_64 : memref<2x128xi32, #tpu.memory_space<vmem>>)
    %dma_wait3A_68 = arith.constant 0 : i32
    %dma_wait3A_69 = arith.constant 0 : i32
    %dma_wait3A_70 = arith.constant 0 : i32
    %dma_wait3A_71 = tpu.memref_slice %arg8[%dma_wait3A_68, %dma_wait3A_69, %dma_wait3A_70] : memref<2x2x128xi32, #tpu.memory_space<vmem>> -> memref<1x2x128xi32, #tpu.memory_space<vmem>>
    %dma_wait3A_72 = tpu.memref_squeeze %dma_wait3A_71 : memref<1x2x128xi32, #tpu.memory_space<vmem>> -> memref<2x128xi32, #tpu.memory_space<vmem>>
    %dma_wait3A_73 = arith.constant 0 : i32
    %dma_wait3A_74 = arith.constant 0 : i32
    %dma_wait3A_75 = tpu.memref_slice %arg4[%dma_wait3A_73, %dma_wait3A_74] : memref<2560x128xi32, #tpu.memory_space<hbm>> -> memref<2x128xi32, #tpu.memory_space<hbm>>
    %dma_wait3A_76 = arith.constant 0 : i32
    %dma_wait3A_77 = arith.constant 0 : i32
    %dma_wait3A_78 = tpu.memref_slice %arg8[%dma_wait3A_68, %dma_wait3A_76, %dma_wait3A_77] : memref<2x2x128xi32, #tpu.memory_space<vmem>> -> memref<1x2x128xi32, #tpu.memory_space<vmem>>
    %dma_wait3A_79 = tpu.memref_squeeze %dma_wait3A_78 : memref<1x2x128xi32, #tpu.memory_space<vmem>> -> memref<2x128xi32, #tpu.memory_space<vmem>>
    %dma_wait3A_80 = arith.constant 0 : i32
    %dma_wait3A_81 = arith.constant 0 : i32
    %dma_wait3A_82 = tpu.memref_slice %arg4[%dma_wait3A_80, %dma_wait3A_81] : memref<2560x128xi32, #tpu.memory_space<hbm>> -> memref<2x128xi32, #tpu.memory_space<hbm>>
    tpu.wait_dma2 semaphore(%arg13 : memref<!tpu.dma_semaphore, #tpu.memory_space<semaphore_mem>>) src(%dma_wait3A_82 : memref<2x128xi32, #tpu.memory_space<hbm>>) dst(%dma_wait3A_79 : memref<2x128xi32, #tpu.memory_space<vmem>>)
    %dma_start3A_83 = arith.constant 0 : i32
    %dma_start3A_84 = arith.constant 0 : i32
    %dma_start3A_85 = arith.constant 0 : i32
    %dma_start3A_86 = arith.constant 0 : i32
    %dma_start3A_87 = arith.constant 0 : i32
    %dma_start3A_88 = tpu.memref_slice %arg9[%dma_start3A_85, %dma_start3A_86, %dma_start3A_87] : memref<2x128x144xf32, #tpu.memory_space<vmem>> -> memref<1x128x144xf32, #tpu.memory_space<vmem>>
    %dma_start3A_89 = tpu.memref_squeeze %dma_start3A_88 : memref<1x128x144xf32, #tpu.memory_space<vmem>> -> memref<128x144xf32, #tpu.memory_space<vmem>>
    %dma_start3A_90 = arith.constant 0 : i32
    %dma_start3A_91 = tpu.memref_slice %arg7[%dma_start3A_83, %dma_start3A_84, %dma_start3A_90] : memref<2x2x128xi32, #tpu.memory_space<vmem>> -> memref<1x1x128xi32, #tpu.memory_space<vmem>>
    %dma_start3A_92 = tpu.memref_squeeze %dma_start3A_91 : memref<1x1x128xi32, #tpu.memory_space<vmem>> -> memref<128xi32, #tpu.memory_space<vmem>>
    %dma_start3A_93 = arith.constant 0 : i32
    %dma_start3A_94 = arith.constant 0 : i32
    %dma_start3A_95 = tpu.memref_slice %arg2[%dma_start3A_93, %dma_start3A_94] : memref<10240x144xf32, #tpu.memory_space<hbm>> -> memref<10240x144xf32, #tpu.memory_space<hbm>>
    tpu.enqueue_indirect_dma source(%dma_start3A_95 : memref<10240x144xf32, #tpu.memory_space<hbm>>) target(%dma_start3A_89 : memref<128x144xf32, #tpu.memory_space<vmem>>) offsets(%dma_start3A_92 : memref<128xi32, #tpu.memory_space<vmem>>) semaphore(%arg11 : memref<!tpu.dma_semaphore, #tpu.memory_space<semaphore_mem>>)
    %add3A_96 = arith.constant 2 : i32
    %add3A_97 = arith.addi %add3A, %add3A_96 : i32
    %dma_start3A_98 = arith.constant 1 : i32
    %dma_start3A_99 = arith.constant 0 : i32
    %dma_start3A_100 = arith.constant 0 : i32
    %dma_start3A_101 = tpu.memref_slice %arg7[%dma_start3A_98, %dma_start3A_99, %dma_start3A_100] : memref<2x2x128xi32, #tpu.memory_space<vmem>> -> memref<1x2x128xi32, #tpu.memory_space<vmem>>
    %dma_start3A_102 = tpu.memref_squeeze %dma_start3A_101 : memref<1x2x128xi32, #tpu.memory_space<vmem>> -> memref<2x128xi32, #tpu.memory_space<vmem>>
    %dma_start3A_103 = arith.constant 0 : i32
    %dma_start3A_104 = tpu.memref_slice %arg3[%add3A_97, %dma_start3A_103] : memref<2560x128xi32, #tpu.memory_space<hbm>> -> memref<2x128xi32, #tpu.memory_space<hbm>>
    %dma_start3A_105 = arith.constant 0 : i32
    %dma_start3A_106 = arith.constant 0 : i32
    %dma_start3A_107 = tpu.memref_slice %arg7[%dma_start3A_98, %dma_start3A_105, %dma_start3A_106] : memref<2x2x128xi32, #tpu.memory_space<vmem>> -> memref<1x2x128xi32, #tpu.memory_space<vmem>>
    %dma_start3A_108 = tpu.memref_squeeze %dma_start3A_107 : memref<1x2x128xi32, #tpu.memory_space<vmem>> -> memref<2x128xi32, #tpu.memory_space<vmem>>
    %dma_start3A_109 = arith.constant 0 : i32
    %dma_start3A_110 = tpu.memref_slice %arg3[%add3A_97, %dma_start3A_109] : memref<2560x128xi32, #tpu.memory_space<hbm>> -> memref<2x128xi32, #tpu.memory_space<hbm>>
    tpu.enqueue_dma source(%dma_start3A_110 : memref<2x128xi32, #tpu.memory_space<hbm>>) target(%dma_start3A_108 : memref<2x128xi32, #tpu.memory_space<vmem>>) target_semaphore(%arg14 : memref<!tpu.dma_semaphore, #tpu.memory_space<semaphore_mem>>)
    %add3A_111 = arith.constant 2 : i32
    %add3A_112 = arith.addi %add3A, %add3A_111 : i32
    %dma_start3A_113 = arith.constant 1 : i32
    %dma_start3A_114 = arith.constant 0 : i32
    %dma_start3A_115 = arith.constant 0 : i32
    %dma_start3A_116 = tpu.memref_slice %arg8[%dma_start3A_113, %dma_start3A_114, %dma_start3A_115] : memref<2x2x128xi32, #tpu.memory_space<vmem>> -> memref<1x2x128xi32, #tpu.memory_space<vmem>>
    %dma_start3A_117 = tpu.memref_squeeze %dma_start3A_116 : memref<1x2x128xi32, #tpu.memory_space<vmem>> -> memref<2x128xi32, #tpu.memory_space<vmem>>
    %dma_start3A_118 = arith.constant 0 : i32
    %dma_start3A_119 = tpu.memref_slice %arg4[%add3A_112, %dma_start3A_118] : memref<2560x128xi32, #tpu.memory_space<hbm>> -> memref<2x128xi32, #tpu.memory_space<hbm>>
    %dma_start3A_120 = arith.constant 0 : i32
    %dma_start3A_121 = arith.constant 0 : i32
    %dma_start3A_122 = tpu.memref_slice %arg8[%dma_start3A_113, %dma_start3A_120, %dma_start3A_121] : memref<2x2x128xi32, #tpu.memory_space<vmem>> -> memref<1x2x128xi32, #tpu.memory_space<vmem>>
    %dma_start3A_123 = tpu.memref_squeeze %dma_start3A_122 : memref<1x2x128xi32, #tpu.memory_space<vmem>> -> memref<2x128xi32, #tpu.memory_space<vmem>>
    %dma_start3A_124 = arith.constant 0 : i32
    %dma_start3A_125 = tpu.memref_slice %arg4[%add3A_112, %dma_start3A_124] : memref<2560x128xi32, #tpu.memory_space<hbm>> -> memref<2x128xi32, #tpu.memory_space<hbm>>
    tpu.enqueue_dma source(%dma_start3A_125 : memref<2x128xi32, #tpu.memory_space<hbm>>) target(%dma_start3A_123 : memref<2x128xi32, #tpu.memory_space<vmem>>) target_semaphore(%arg14 : memref<!tpu.dma_semaphore, #tpu.memory_space<semaphore_mem>>)
    %barrier3A = arith.constant 0 : index
    tpu.barrier barrier_id(%barrier3A)
    %jit3A_126 = arith.constant 2 : i32
    %div3A_127 = arith.divsi %select_n3A_19, %jit3A_126 : i32
    %sign3A_128 = arith.constant 0 : i32
    %sign3A_129 = arith.cmpi sgt, %select_n3A_19, %sign3A_128 : i32
    %sign3A_130 = arith.extui %sign3A_129 : i1 to i32
    %sign3A_131 = arith.constant 0 : i32
    %sign3A_132 = arith.cmpi slt, %select_n3A_19, %sign3A_131 : i32
    %sign3A_133 = arith.extui %sign3A_132 : i1 to i32
    %sign3A_134 = arith.subi %sign3A_130, %sign3A_133 : i32
    %sign3A_135 = arith.constant 0 : i32
    %sign3A_136 = arith.cmpi sgt, %jit3A_126, %sign3A_135 : i32
    %sign3A_137 = arith.extui %sign3A_136 : i1 to i32
    %sign3A_138 = arith.constant 0 : i32
    %sign3A_139 = arith.cmpi slt, %jit3A_126, %sign3A_138 : i32
    %sign3A_140 = arith.extui %sign3A_139 : i1 to i32
    %sign3A_141 = arith.subi %sign3A_137, %sign3A_140 : i32
    %ne3A_142 = arith.cmpi ne, %sign3A_134, %sign3A_141 : i32
    %rem3A_143 = arith.remsi %select_n3A_19, %jit3A_126 : i32
    %ne3A_144 = arith.constant 0 : i32
    %ne3A_145 = arith.cmpi ne, %rem3A_143, %ne3A_144 : i32
    %and3A_146 = arith.andi %ne3A_142, %ne3A_145 : i1
    %sub3A_147 = arith.constant 1 : i32
    %sub3A_148 = arith.subi %div3A_127, %sub3A_147 : i32
    %select_n3A_149 = arith.select %and3A_146, %sub3A_148, %div3A_127 : i32
    %while3A = arith.constant 0 : i32
    %while3A_150 = arith.subi %select_n3A_149, %while3A : i32
    %while3A_151 = arith.addi %while3A, %while3A_150 : i32
    %while3A_152 = arith.constant 1 : i32
    %while3A_153 = arith.divsi %while3A_150, %while3A_152 : i32
    %while3A_154 = arith.muli %while3A_153, %while3A_152 : i32
    %while3A_155 = arith.addi %while3A, %while3A_154 : i32
    %while3A_156 = arith.constant 1 : i32
    scf.for %while3A_159 = %while3A to %while3A_155 step %while3A_156  : i32 {
      %mul3A_160 = arith.constant 2 : i32
      %mul3A_161 = arith.muli %while3A_159, %mul3A_160 : i32
      %add3A_162 = arith.constant 0 : i32
      %add3A_163 = arith.addi %mul3A_161, %add3A_162 : i32
      %dma_start3A_164 = arith.constant 0 : i32
      %dma_start3A_165 = arith.constant 1 : i32
      %dma_start3A_166 = arith.constant 1 : i32
      %dma_start3A_167 = arith.constant 0 : i32
      %dma_start3A_168 = arith.constant 0 : i32
      %dma_start3A_169 = tpu.memref_slice %arg9[%dma_start3A_166, %dma_start3A_167, %dma_start3A_168] : memref<2x128x144xf32, #tpu.memory_space<vmem>> -> memref<1x128x144xf32, #tpu.memory_space<vmem>>
      %dma_start3A_170 = tpu.memref_squeeze %dma_start3A_169 : memref<1x128x144xf32, #tpu.memory_space<vmem>> -> memref<128x144xf32, #tpu.memory_space<vmem>>
      %dma_start3A_171 = arith.constant 0 : i32
      %dma_start3A_172 = tpu.memref_slice %arg7[%dma_start3A_164, %dma_start3A_165, %dma_start3A_171] : memref<2x2x128xi32, #tpu.memory_space<vmem>> -> memref<1x1x128xi32, #tpu.memory_space<vmem>>
      %dma_start3A_173 = tpu.memref_squeeze %dma_start3A_172 : memref<1x1x128xi32, #tpu.memory_space<vmem>> -> memref<128xi32, #tpu.memory_space<vmem>>
      %dma_start3A_174 = arith.constant 0 : i32
      %dma_start3A_175 = arith.constant 0 : i32
      %dma_start3A_176 = tpu.memref_slice %arg2[%dma_start3A_174, %dma_start3A_175] : memref<10240x144xf32, #tpu.memory_space<hbm>> -> memref<10240x144xf32, #tpu.memory_space<hbm>>
      tpu.enqueue_indirect_dma source(%dma_start3A_176 : memref<10240x144xf32, #tpu.memory_space<hbm>>) target(%dma_start3A_170 : memref<128x144xf32, #tpu.memory_space<vmem>>) offsets(%dma_start3A_173 : memref<128xi32, #tpu.memory_space<vmem>>) semaphore(%arg12 : memref<!tpu.dma_semaphore, #tpu.memory_space<semaphore_mem>>)
      %dma_wait3A_177 = arith.constant 0 : i32
      %dma_wait3A_178 = arith.constant 0 : i32
      %dma_wait3A_179 = arith.constant 0 : i32
      %dma_wait3A_180 = arith.constant 0 : i32
      %dma_wait3A_181 = arith.constant 0 : i32
      %dma_wait3A_182 = tpu.memref_slice %arg9[%dma_wait3A_179, %dma_wait3A_180, %dma_wait3A_181] : memref<2x128x144xf32, #tpu.memory_space<vmem>> -> memref<1x128x144xf32, #tpu.memory_space<vmem>>
      %dma_wait3A_183 = tpu.memref_squeeze %dma_wait3A_182 : memref<1x128x144xf32, #tpu.memory_space<vmem>> -> memref<128x144xf32, #tpu.memory_space<vmem>>
      %dma_wait3A_184 = arith.constant 0 : i32
      %dma_wait3A_185 = tpu.memref_slice %arg7[%dma_wait3A_177, %dma_wait3A_178, %dma_wait3A_184] : memref<2x2x128xi32, #tpu.memory_space<vmem>> -> memref<1x1x128xi32, #tpu.memory_space<vmem>>
      %dma_wait3A_186 = tpu.memref_squeeze %dma_wait3A_185 : memref<1x1x128xi32, #tpu.memory_space<vmem>> -> memref<128xi32, #tpu.memory_space<vmem>>
      %dma_wait3A_187 = arith.constant 0 : i32
      %dma_wait3A_188 = arith.constant 0 : i32
      %dma_wait3A_189 = tpu.memref_slice %arg2[%dma_wait3A_187, %dma_wait3A_188] : memref<10240x144xf32, #tpu.memory_space<hbm>> -> memref<10240x144xf32, #tpu.memory_space<hbm>>
      tpu.wait_indirect_dma semaphore(%arg11 : memref<!tpu.dma_semaphore, #tpu.memory_space<semaphore_mem>>) src(%dma_wait3A_189 : memref<10240x144xf32, #tpu.memory_space<hbm>>) dst(%dma_wait3A_183 : memref<128x144xf32, #tpu.memory_space<vmem>>)
      %run_scoped3A = arith.constant 0 : i32
      %run_scoped3A_190 = arith.constant 0 : i32
      %run_scoped3A_191 = arith.constant 0 : i32
      "tpu.region"() ({
        %run_scoped3A_278 = tpu.sem_alloc : memref<!tpu.dma_semaphore, #tpu.memory_space<semaphore_mem>>
        %dma_start3A_279 = arith.constant 0 : i32
        %dma_start3A_280 = arith.constant 0 : i32
        %dma_start3A_281 = tpu.memref_slice %arg9[%run_scoped3A, %dma_start3A_279, %dma_start3A_280] : memref<2x128x144xf32, #tpu.memory_space<vmem>> -> memref<1x128x144xf32, #tpu.memory_space<vmem>>
        %dma_start3A_282 = tpu.memref_squeeze %dma_start3A_281 : memref<1x128x144xf32, #tpu.memory_space<vmem>> -> memref<128x144xf32, #tpu.memory_space<vmem>>
        %dma_start3A_283 = arith.constant 0 : i32
        %dma_start3A_284 = tpu.memref_slice %arg8[%run_scoped3A_190, %run_scoped3A_191, %dma_start3A_283] : memref<2x2x128xi32, #tpu.memory_space<vmem>> -> memref<1x1x128xi32, #tpu.memory_space<vmem>>
        %dma_start3A_285 = tpu.memref_squeeze %dma_start3A_284 : memref<1x1x128xi32, #tpu.memory_space<vmem>> -> memref<128xi32, #tpu.memory_space<vmem>>
        %dma_start3A_286 = arith.constant 0 : i32
        %dma_start3A_287 = arith.constant 0 : i32
        %dma_start3A_288 = tpu.memref_slice %arg10[%dma_start3A_286, %dma_start3A_287] : memref<10240x144xf32, #tpu.memory_space<vmem_shared>> -> memref<10240x144xf32, #tpu.memory_space<vmem_shared>>
        tpu.enqueue_indirect_dma source(%dma_start3A_282 : memref<128x144xf32, #tpu.memory_space<vmem>>) target(%dma_start3A_288 : memref<10240x144xf32, #tpu.memory_space<vmem_shared>>) offsets(%dma_start3A_285 : memref<128xi32, #tpu.memory_space<vmem>>) semaphore(%run_scoped3A_278 : memref<!tpu.dma_semaphore, #tpu.memory_space<semaphore_mem>>) {add = true}
        %dma_wait3A_289 = arith.constant 0 : i32
        %dma_wait3A_290 = arith.constant 0 : i32
        %dma_wait3A_291 = tpu.memref_slice %arg9[%run_scoped3A, %dma_wait3A_289, %dma_wait3A_290] : memref<2x128x144xf32, #tpu.memory_space<vmem>> -> memref<1x128x144xf32, #tpu.memory_space<vmem>>
        %dma_wait3A_292 = tpu.memref_squeeze %dma_wait3A_291 : memref<1x128x144xf32, #tpu.memory_space<vmem>> -> memref<128x144xf32, #tpu.memory_space<vmem>>
        %dma_wait3A_293 = arith.constant 0 : i32
        %dma_wait3A_294 = tpu.memref_slice %arg8[%run_scoped3A_190, %run_scoped3A_191, %dma_wait3A_293] : memref<2x2x128xi32, #tpu.memory_space<vmem>> -> memref<1x1x128xi32, #tpu.memory_space<vmem>>
        %dma_wait3A_295 = tpu.memref_squeeze %dma_wait3A_294 : memref<1x1x128xi32, #tpu.memory_space<vmem>> -> memref<128xi32, #tpu.memory_space<vmem>>
        %dma_wait3A_296 = arith.constant 0 : i32
        %dma_wait3A_297 = arith.constant 0 : i32
        %dma_wait3A_298 = tpu.memref_slice %arg10[%dma_wait3A_296, %dma_wait3A_297] : memref<10240x144xf32, #tpu.memory_space<vmem_shared>> -> memref<10240x144xf32, #tpu.memory_space<vmem_shared>>
        tpu.wait_indirect_dma semaphore(%run_scoped3A_278 : memref<!tpu.dma_semaphore, #tpu.memory_space<semaphore_mem>>) src(%dma_wait3A_292 : memref<128x144xf32, #tpu.memory_space<vmem>>) dst(%dma_wait3A_298 : memref<10240x144xf32, #tpu.memory_space<vmem_shared>>)
        tpu.yield
      }) : () -> ()
      %add3A_192 = arith.constant 1 : i32
      %add3A_193 = arith.addi %add3A_163, %add3A_192 : i32
      %lt3A = arith.cmpi slt, %add3A_193, %select_n3A_19 : i32
      %convert_element_type3A = arith.extui %lt3A : i1 to i32
      %cond3A = arith.constant 0 : i32
      %cond3A_194 = arith.cmpi ne, %convert_element_type3A, %cond3A : i32
      scf.if %cond3A_194 {
        %dma_wait3A_278 = arith.constant 1 : i32
        %dma_wait3A_279 = arith.constant 0 : i32
        %dma_wait3A_280 = arith.constant 0 : i32
        %dma_wait3A_281 = tpu.memref_slice %arg7[%dma_wait3A_278, %dma_wait3A_279, %dma_wait3A_280] : memref<2x2x128xi32, #tpu.memory_space<vmem>> -> memref<1x2x128xi32, #tpu.memory_space<vmem>>
        %dma_wait3A_282 = tpu.memref_squeeze %dma_wait3A_281 : memref<1x2x128xi32, #tpu.memory_space<vmem>> -> memref<2x128xi32, #tpu.memory_space<vmem>>
        %dma_wait3A_283 = arith.constant 0 : i32
        %dma_wait3A_284 = arith.constant 0 : i32
        %dma_wait3A_285 = tpu.memref_slice %arg3[%dma_wait3A_283, %dma_wait3A_284] : memref<2560x128xi32, #tpu.memory_space<hbm>> -> memref<2x128xi32, #tpu.memory_space<hbm>>
        %dma_wait3A_286 = arith.constant 0 : i32
        %dma_wait3A_287 = arith.constant 0 : i32
        %dma_wait3A_288 = tpu.memref_slice %arg7[%dma_wait3A_278, %dma_wait3A_286, %dma_wait3A_287] : memref<2x2x128xi32, #tpu.memory_space<vmem>> -> memref<1x2x128xi32, #tpu.memory_space<vmem>>
        %dma_wait3A_289 = tpu.memref_squeeze %dma_wait3A_288 : memref<1x2x128xi32, #tpu.memory_space<vmem>> -> memref<2x128xi32, #tpu.memory_space<vmem>>
        %dma_wait3A_290 = arith.constant 0 : i32
        %dma_wait3A_291 = arith.constant 0 : i32
        %dma_wait3A_292 = tpu.memref_slice %arg3[%dma_wait3A_290, %dma_wait3A_291] : memref<2560x128xi32, #tpu.memory_space<hbm>> -> memref<2x128xi32, #tpu.memory_space<hbm>>
        tpu.wait_dma2 semaphore(%arg14 : memref<!tpu.dma_semaphore, #tpu.memory_space<semaphore_mem>>) src(%dma_wait3A_292 : memref<2x128xi32, #tpu.memory_space<hbm>>) dst(%dma_wait3A_289 : memref<2x128xi32, #tpu.memory_space<vmem>>)
        %dma_wait3A_293 = arith.constant 1 : i32
        %dma_wait3A_294 = arith.constant 0 : i32
        %dma_wait3A_295 = arith.constant 0 : i32
        %dma_wait3A_296 = tpu.memref_slice %arg8[%dma_wait3A_293, %dma_wait3A_294, %dma_wait3A_295] : memref<2x2x128xi32, #tpu.memory_space<vmem>> -> memref<1x2x128xi32, #tpu.memory_space<vmem>>
        %dma_wait3A_297 = tpu.memref_squeeze %dma_wait3A_296 : memref<1x2x128xi32, #tpu.memory_space<vmem>> -> memref<2x128xi32, #tpu.memory_space<vmem>>
        %dma_wait3A_298 = arith.constant 0 : i32
        %dma_wait3A_299 = arith.constant 0 : i32
        %dma_wait3A_300 = tpu.memref_slice %arg4[%dma_wait3A_298, %dma_wait3A_299] : memref<2560x128xi32, #tpu.memory_space<hbm>> -> memref<2x128xi32, #tpu.memory_space<hbm>>
        %dma_wait3A_301 = arith.constant 0 : i32
        %dma_wait3A_302 = arith.constant 0 : i32
        %dma_wait3A_303 = tpu.memref_slice %arg8[%dma_wait3A_293, %dma_wait3A_301, %dma_wait3A_302] : memref<2x2x128xi32, #tpu.memory_space<vmem>> -> memref<1x2x128xi32, #tpu.memory_space<vmem>>
        %dma_wait3A_304 = tpu.memref_squeeze %dma_wait3A_303 : memref<1x2x128xi32, #tpu.memory_space<vmem>> -> memref<2x128xi32, #tpu.memory_space<vmem>>
        %dma_wait3A_305 = arith.constant 0 : i32
        %dma_wait3A_306 = arith.constant 0 : i32
        %dma_wait3A_307 = tpu.memref_slice %arg4[%dma_wait3A_305, %dma_wait3A_306] : memref<2560x128xi32, #tpu.memory_space<hbm>> -> memref<2x128xi32, #tpu.memory_space<hbm>>
        tpu.wait_dma2 semaphore(%arg14 : memref<!tpu.dma_semaphore, #tpu.memory_space<semaphore_mem>>) src(%dma_wait3A_307 : memref<2x128xi32, #tpu.memory_space<hbm>>) dst(%dma_wait3A_304 : memref<2x128xi32, #tpu.memory_space<vmem>>)
        %dma_start3A_308 = arith.constant 1 : i32
        %dma_start3A_309 = arith.constant 0 : i32
        %dma_start3A_310 = arith.constant 0 : i32
        %dma_start3A_311 = arith.constant 0 : i32
        %dma_start3A_312 = arith.constant 0 : i32
        %dma_start3A_313 = tpu.memref_slice %arg9[%dma_start3A_310, %dma_start3A_311, %dma_start3A_312] : memref<2x128x144xf32, #tpu.memory_space<vmem>> -> memref<1x128x144xf32, #tpu.memory_space<vmem>>
        %dma_start3A_314 = tpu.memref_squeeze %dma_start3A_313 : memref<1x128x144xf32, #tpu.memory_space<vmem>> -> memref<128x144xf32, #tpu.memory_space<vmem>>
        %dma_start3A_315 = arith.constant 0 : i32
        %dma_start3A_316 = tpu.memref_slice %arg7[%dma_start3A_308, %dma_start3A_309, %dma_start3A_315] : memref<2x2x128xi32, #tpu.memory_space<vmem>> -> memref<1x1x128xi32, #tpu.memory_space<vmem>>
        %dma_start3A_317 = tpu.memref_squeeze %dma_start3A_316 : memref<1x1x128xi32, #tpu.memory_space<vmem>> -> memref<128xi32, #tpu.memory_space<vmem>>
        %dma_start3A_318 = arith.constant 0 : i32
        %dma_start3A_319 = arith.constant 0 : i32
        %dma_start3A_320 = tpu.memref_slice %arg2[%dma_start3A_318, %dma_start3A_319] : memref<10240x144xf32, #tpu.memory_space<hbm>> -> memref<10240x144xf32, #tpu.memory_space<hbm>>
        tpu.enqueue_indirect_dma source(%dma_start3A_320 : memref<10240x144xf32, #tpu.memory_space<hbm>>) target(%dma_start3A_314 : memref<128x144xf32, #tpu.memory_space<vmem>>) offsets(%dma_start3A_317 : memref<128xi32, #tpu.memory_space<vmem>>) semaphore(%arg11 : memref<!tpu.dma_semaphore, #tpu.memory_space<semaphore_mem>>)
      } else {
      }
      %dma_wait3A_195 = arith.constant 0 : i32
      %dma_wait3A_196 = arith.constant 1 : i32
      %dma_wait3A_197 = arith.constant 1 : i32
      %dma_wait3A_198 = arith.constant 0 : i32
      %dma_wait3A_199 = arith.constant 0 : i32
      %dma_wait3A_200 = tpu.memref_slice %arg9[%dma_wait3A_197, %dma_wait3A_198, %dma_wait3A_199] : memref<2x128x144xf32, #tpu.memory_space<vmem>> -> memref<1x128x144xf32, #tpu.memory_space<vmem>>
      %dma_wait3A_201 = tpu.memref_squeeze %dma_wait3A_200 : memref<1x128x144xf32, #tpu.memory_space<vmem>> -> memref<128x144xf32, #tpu.memory_space<vmem>>
      %dma_wait3A_202 = arith.constant 0 : i32
      %dma_wait3A_203 = tpu.memref_slice %arg7[%dma_wait3A_195, %dma_wait3A_196, %dma_wait3A_202] : memref<2x2x128xi32, #tpu.memory_space<vmem>> -> memref<1x1x128xi32, #tpu.memory_space<vmem>>
      %dma_wait3A_204 = tpu.memref_squeeze %dma_wait3A_203 : memref<1x1x128xi32, #tpu.memory_space<vmem>> -> memref<128xi32, #tpu.memory_space<vmem>>
      %dma_wait3A_205 = arith.constant 0 : i32
      %dma_wait3A_206 = arith.constant 0 : i32
      %dma_wait3A_207 = tpu.memref_slice %arg2[%dma_wait3A_205, %dma_wait3A_206] : memref<10240x144xf32, #tpu.memory_space<hbm>> -> memref<10240x144xf32, #tpu.memory_space<hbm>>
      tpu.wait_indirect_dma semaphore(%arg12 : memref<!tpu.dma_semaphore, #tpu.memory_space<semaphore_mem>>) src(%dma_wait3A_207 : memref<10240x144xf32, #tpu.memory_space<hbm>>) dst(%dma_wait3A_201 : memref<128x144xf32, #tpu.memory_space<vmem>>)
      %run_scoped3A_208 = arith.constant 1 : i32
      %run_scoped3A_209 = arith.constant 0 : i32
      %run_scoped3A_210 = arith.constant 1 : i32
      "tpu.region"() ({
        %run_scoped3A_278 = tpu.sem_alloc : memref<!tpu.dma_semaphore, #tpu.memory_space<semaphore_mem>>
        %dma_start3A_279 = arith.constant 0 : i32
        %dma_start3A_280 = arith.constant 0 : i32
        %dma_start3A_281 = tpu.memref_slice %arg9[%run_scoped3A_208, %dma_start3A_279, %dma_start3A_280] : memref<2x128x144xf32, #tpu.memory_space<vmem>> -> memref<1x128x144xf32, #tpu.memory_space<vmem>>
        %dma_start3A_282 = tpu.memref_squeeze %dma_start3A_281 : memref<1x128x144xf32, #tpu.memory_space<vmem>> -> memref<128x144xf32, #tpu.memory_space<vmem>>
        %dma_start3A_283 = arith.constant 0 : i32
        %dma_start3A_284 = tpu.memref_slice %arg8[%run_scoped3A_209, %run_scoped3A_210, %dma_start3A_283] : memref<2x2x128xi32, #tpu.memory_space<vmem>> -> memref<1x1x128xi32, #tpu.memory_space<vmem>>
        %dma_start3A_285 = tpu.memref_squeeze %dma_start3A_284 : memref<1x1x128xi32, #tpu.memory_space<vmem>> -> memref<128xi32, #tpu.memory_space<vmem>>
        %dma_start3A_286 = arith.constant 0 : i32
        %dma_start3A_287 = arith.constant 0 : i32
        %dma_start3A_288 = tpu.memref_slice %arg10[%dma_start3A_286, %dma_start3A_287] : memref<10240x144xf32, #tpu.memory_space<vmem_shared>> -> memref<10240x144xf32, #tpu.memory_space<vmem_shared>>
        tpu.enqueue_indirect_dma source(%dma_start3A_282 : memref<128x144xf32, #tpu.memory_space<vmem>>) target(%dma_start3A_288 : memref<10240x144xf32, #tpu.memory_space<vmem_shared>>) offsets(%dma_start3A_285 : memref<128xi32, #tpu.memory_space<vmem>>) semaphore(%run_scoped3A_278 : memref<!tpu.dma_semaphore, #tpu.memory_space<semaphore_mem>>) {add = true}
        %dma_wait3A_289 = arith.constant 0 : i32
        %dma_wait3A_290 = arith.constant 0 : i32
        %dma_wait3A_291 = tpu.memref_slice %arg9[%run_scoped3A_208, %dma_wait3A_289, %dma_wait3A_290] : memref<2x128x144xf32, #tpu.memory_space<vmem>> -> memref<1x128x144xf32, #tpu.memory_space<vmem>>
        %dma_wait3A_292 = tpu.memref_squeeze %dma_wait3A_291 : memref<1x128x144xf32, #tpu.memory_space<vmem>> -> memref<128x144xf32, #tpu.memory_space<vmem>>
        %dma_wait3A_293 = arith.constant 0 : i32
        %dma_wait3A_294 = tpu.memref_slice %arg8[%run_scoped3A_209, %run_scoped3A_210, %dma_wait3A_293] : memref<2x2x128xi32, #tpu.memory_space<vmem>> -> memref<1x1x128xi32, #tpu.memory_space<vmem>>
        %dma_wait3A_295 = tpu.memref_squeeze %dma_wait3A_294 : memref<1x1x128xi32, #tpu.memory_space<vmem>> -> memref<128xi32, #tpu.memory_space<vmem>>
        %dma_wait3A_296 = arith.constant 0 : i32
        %dma_wait3A_297 = arith.constant 0 : i32
        %dma_wait3A_298 = tpu.memref_slice %arg10[%dma_wait3A_296, %dma_wait3A_297] : memref<10240x144xf32, #tpu.memory_space<vmem_shared>> -> memref<10240x144xf32, #tpu.memory_space<vmem_shared>>
        tpu.wait_indirect_dma semaphore(%run_scoped3A_278 : memref<!tpu.dma_semaphore, #tpu.memory_space<semaphore_mem>>) src(%dma_wait3A_292 : memref<128x144xf32, #tpu.memory_space<vmem>>) dst(%dma_wait3A_298 : memref<10240x144xf32, #tpu.memory_space<vmem_shared>>)
        tpu.yield
      }) : () -> ()
      %add3A_211 = arith.constant 2 : i32
      %add3A_212 = arith.addi %add3A_163, %add3A_211 : i32
      %lt3A_213 = arith.cmpi slt, %add3A_212, %select_n3A_19 : i32
      %convert_element_type3A_214 = arith.extui %lt3A_213 : i1 to i32
      %cond3A_215 = arith.constant 0 : i32
      %cond3A_216 = arith.cmpi ne, %convert_element_type3A_214, %cond3A_215 : i32
      scf.if %cond3A_216 {
        %add3A_278 = arith.constant 2 : i32
        %add3A_279 = arith.addi %add3A_163, %add3A_278 : i32
        %mul3A_280 = arith.constant 2 : i32
        %mul3A_281 = arith.muli %add3A_279, %mul3A_280 : i32
        %add3A_282 = arith.addi %add3A, %mul3A_281 : i32
        %dma_start3A_283 = arith.constant 0 : i32
        %dma_start3A_284 = arith.constant 0 : i32
        %dma_start3A_285 = arith.constant 0 : i32
        %dma_start3A_286 = tpu.memref_slice %arg7[%dma_start3A_283, %dma_start3A_284, %dma_start3A_285] : memref<2x2x128xi32, #tpu.memory_space<vmem>> -> memref<1x2x128xi32, #tpu.memory_space<vmem>>
        %dma_start3A_287 = tpu.memref_squeeze %dma_start3A_286 : memref<1x2x128xi32, #tpu.memory_space<vmem>> -> memref<2x128xi32, #tpu.memory_space<vmem>>
        %dma_start3A_288 = arith.constant 0 : i32
        %dma_start3A_289 = tpu.memref_slice %arg3[%add3A_282, %dma_start3A_288] : memref<2560x128xi32, #tpu.memory_space<hbm>> -> memref<2x128xi32, #tpu.memory_space<hbm>>
        %dma_start3A_290 = arith.constant 0 : i32
        %dma_start3A_291 = arith.constant 0 : i32
        %dma_start3A_292 = tpu.memref_slice %arg7[%dma_start3A_283, %dma_start3A_290, %dma_start3A_291] : memref<2x2x128xi32, #tpu.memory_space<vmem>> -> memref<1x2x128xi32, #tpu.memory_space<vmem>>
        %dma_start3A_293 = tpu.memref_squeeze %dma_start3A_292 : memref<1x2x128xi32, #tpu.memory_space<vmem>> -> memref<2x128xi32, #tpu.memory_space<vmem>>
        %dma_start3A_294 = arith.constant 0 : i32
        %dma_start3A_295 = tpu.memref_slice %arg3[%add3A_282, %dma_start3A_294] : memref<2560x128xi32, #tpu.memory_space<hbm>> -> memref<2x128xi32, #tpu.memory_space<hbm>>
        tpu.enqueue_dma source(%dma_start3A_295 : memref<2x128xi32, #tpu.memory_space<hbm>>) target(%dma_start3A_293 : memref<2x128xi32, #tpu.memory_space<vmem>>) target_semaphore(%arg13 : memref<!tpu.dma_semaphore, #tpu.memory_space<semaphore_mem>>)
        %mul3A_296 = arith.constant 2 : i32
        %mul3A_297 = arith.muli %add3A_279, %mul3A_296 : i32
        %add3A_298 = arith.addi %add3A, %mul3A_297 : i32
        %dma_start3A_299 = arith.constant 0 : i32
        %dma_start3A_300 = arith.constant 0 : i32
        %dma_start3A_301 = arith.constant 0 : i32
        %dma_start3A_302 = tpu.memref_slice %arg8[%dma_start3A_299, %dma_start3A_300, %dma_start3A_301] : memref<2x2x128xi32, #tpu.memory_space<vmem>> -> memref<1x2x128xi32, #tpu.memory_space<vmem>>
        %dma_start3A_303 = tpu.memref_squeeze %dma_start3A_302 : memref<1x2x128xi32, #tpu.memory_space<vmem>> -> memref<2x128xi32, #tpu.memory_space<vmem>>
        %dma_start3A_304 = arith.constant 0 : i32
        %dma_start3A_305 = tpu.memref_slice %arg4[%add3A_298, %dma_start3A_304] : memref<2560x128xi32, #tpu.memory_space<hbm>> -> memref<2x128xi32, #tpu.memory_space<hbm>>
        %dma_start3A_306 = arith.constant 0 : i32
        %dma_start3A_307 = arith.constant 0 : i32
        %dma_start3A_308 = tpu.memref_slice %arg8[%dma_start3A_299, %dma_start3A_306, %dma_start3A_307] : memref<2x2x128xi32, #tpu.memory_space<vmem>> -> memref<1x2x128xi32, #tpu.memory_space<vmem>>
        %dma_start3A_309 = tpu.memref_squeeze %dma_start3A_308 : memref<1x2x128xi32, #tpu.memory_space<vmem>> -> memref<2x128xi32, #tpu.memory_space<vmem>>
        %dma_start3A_310 = arith.constant 0 : i32
        %dma_start3A_311 = tpu.memref_slice %arg4[%add3A_298, %dma_start3A_310] : memref<2560x128xi32, #tpu.memory_space<hbm>> -> memref<2x128xi32, #tpu.memory_space<hbm>>
        tpu.enqueue_dma source(%dma_start3A_311 : memref<2x128xi32, #tpu.memory_space<hbm>>) target(%dma_start3A_309 : memref<2x128xi32, #tpu.memory_space<vmem>>) target_semaphore(%arg13 : memref<!tpu.dma_semaphore, #tpu.memory_space<semaphore_mem>>)
      } else {
      }
      %mul3A_217 = arith.constant 2 : i32
      %mul3A_218 = arith.muli %while3A_159, %mul3A_217 : i32
      %add3A_219 = arith.constant 1 : i32
      %add3A_220 = arith.addi %mul3A_218, %add3A_219 : i32
      %dma_start3A_221 = arith.constant 1 : i32
      %dma_start3A_222 = arith.constant 1 : i32
      %dma_start3A_223 = arith.constant 1 : i32
      %dma_start3A_224 = arith.constant 0 : i32
      %dma_start3A_225 = arith.constant 0 : i32
      %dma_start3A_226 = tpu.memref_slice %arg9[%dma_start3A_223, %dma_start3A_224, %dma_start3A_225] : memref<2x128x144xf32, #tpu.memory_space<vmem>> -> memref<1x128x144xf32, #tpu.memory_space<vmem>>
      %dma_start3A_227 = tpu.memref_squeeze %dma_start3A_226 : memref<1x128x144xf32, #tpu.memory_space<vmem>> -> memref<128x144xf32, #tpu.memory_space<vmem>>
      %dma_start3A_228 = arith.constant 0 : i32
      %dma_start3A_229 = tpu.memref_slice %arg7[%dma_start3A_221, %dma_start3A_222, %dma_start3A_228] : memref<2x2x128xi32, #tpu.memory_space<vmem>> -> memref<1x1x128xi32, #tpu.memory_space<vmem>>
      %dma_start3A_230 = tpu.memref_squeeze %dma_start3A_229 : memref<1x1x128xi32, #tpu.memory_space<vmem>> -> memref<128xi32, #tpu.memory_space<vmem>>
      %dma_start3A_231 = arith.constant 0 : i32
      %dma_start3A_232 = arith.constant 0 : i32
      %dma_start3A_233 = tpu.memref_slice %arg2[%dma_start3A_231, %dma_start3A_232] : memref<10240x144xf32, #tpu.memory_space<hbm>> -> memref<10240x144xf32, #tpu.memory_space<hbm>>
      tpu.enqueue_indirect_dma source(%dma_start3A_233 : memref<10240x144xf32, #tpu.memory_space<hbm>>) target(%dma_start3A_227 : memref<128x144xf32, #tpu.memory_space<vmem>>) offsets(%dma_start3A_230 : memref<128xi32, #tpu.memory_space<vmem>>) semaphore(%arg12 : memref<!tpu.dma_semaphore, #tpu.memory_space<semaphore_mem>>)
      %dma_wait3A_234 = arith.constant 1 : i32
      %dma_wait3A_235 = arith.constant 0 : i32
      %dma_wait3A_236 = arith.constant 0 : i32
      %dma_wait3A_237 = arith.constant 0 : i32
      %dma_wait3A_238 = arith.constant 0 : i32
      %dma_wait3A_239 = tpu.memref_slice %arg9[%dma_wait3A_236, %dma_wait3A_237, %dma_wait3A_238] : memref<2x128x144xf32, #tpu.memory_space<vmem>> -> memref<1x128x144xf32, #tpu.memory_space<vmem>>
      %dma_wait3A_240 = tpu.memref_squeeze %dma_wait3A_239 : memref<1x128x144xf32, #tpu.memory_space<vmem>> -> memref<128x144xf32, #tpu.memory_space<vmem>>
      %dma_wait3A_241 = arith.constant 0 : i32
      %dma_wait3A_242 = tpu.memref_slice %arg7[%dma_wait3A_234, %dma_wait3A_235, %dma_wait3A_241] : memref<2x2x128xi32, #tpu.memory_space<vmem>> -> memref<1x1x128xi32, #tpu.memory_space<vmem>>
      %dma_wait3A_243 = tpu.memref_squeeze %dma_wait3A_242 : memref<1x1x128xi32, #tpu.memory_space<vmem>> -> memref<128xi32, #tpu.memory_space<vmem>>
      %dma_wait3A_244 = arith.constant 0 : i32
      %dma_wait3A_245 = arith.constant 0 : i32
      %dma_wait3A_246 = tpu.memref_slice %arg2[%dma_wait3A_244, %dma_wait3A_245] : memref<10240x144xf32, #tpu.memory_space<hbm>> -> memref<10240x144xf32, #tpu.memory_space<hbm>>
      tpu.wait_indirect_dma semaphore(%arg11 : memref<!tpu.dma_semaphore, #tpu.memory_space<semaphore_mem>>) src(%dma_wait3A_246 : memref<10240x144xf32, #tpu.memory_space<hbm>>) dst(%dma_wait3A_240 : memref<128x144xf32, #tpu.memory_space<vmem>>)
      %run_scoped3A_247 = arith.constant 0 : i32
      %run_scoped3A_248 = arith.constant 1 : i32
      %run_scoped3A_249 = arith.constant 0 : i32
      "tpu.region"() ({
        %run_scoped3A_278 = tpu.sem_alloc : memref<!tpu.dma_semaphore, #tpu.memory_space<semaphore_mem>>
        %dma_start3A_279 = arith.constant 0 : i32
        %dma_start3A_280 = arith.constant 0 : i32
        %dma_start3A_281 = tpu.memref_slice %arg9[%run_scoped3A_247, %dma_start3A_279, %dma_start3A_280] : memref<2x128x144xf32, #tpu.memory_space<vmem>> -> memref<1x128x144xf32, #tpu.memory_space<vmem>>
        %dma_start3A_282 = tpu.memref_squeeze %dma_start3A_281 : memref<1x128x144xf32, #tpu.memory_space<vmem>> -> memref<128x144xf32, #tpu.memory_space<vmem>>
        %dma_start3A_283 = arith.constant 0 : i32
        %dma_start3A_284 = tpu.memref_slice %arg8[%run_scoped3A_248, %run_scoped3A_249, %dma_start3A_283] : memref<2x2x128xi32, #tpu.memory_space<vmem>> -> memref<1x1x128xi32, #tpu.memory_space<vmem>>
        %dma_start3A_285 = tpu.memref_squeeze %dma_start3A_284 : memref<1x1x128xi32, #tpu.memory_space<vmem>> -> memref<128xi32, #tpu.memory_space<vmem>>
        %dma_start3A_286 = arith.constant 0 : i32
        %dma_start3A_287 = arith.constant 0 : i32
        %dma_start3A_288 = tpu.memref_slice %arg10[%dma_start3A_286, %dma_start3A_287] : memref<10240x144xf32, #tpu.memory_space<vmem_shared>> -> memref<10240x144xf32, #tpu.memory_space<vmem_shared>>
        tpu.enqueue_indirect_dma source(%dma_start3A_282 : memref<128x144xf32, #tpu.memory_space<vmem>>) target(%dma_start3A_288 : memref<10240x144xf32, #tpu.memory_space<vmem_shared>>) offsets(%dma_start3A_285 : memref<128xi32, #tpu.memory_space<vmem>>) semaphore(%run_scoped3A_278 : memref<!tpu.dma_semaphore, #tpu.memory_space<semaphore_mem>>) {add = true}
        %dma_wait3A_289 = arith.constant 0 : i32
        %dma_wait3A_290 = arith.constant 0 : i32
        %dma_wait3A_291 = tpu.memref_slice %arg9[%run_scoped3A_247, %dma_wait3A_289, %dma_wait3A_290] : memref<2x128x144xf32, #tpu.memory_space<vmem>> -> memref<1x128x144xf32, #tpu.memory_space<vmem>>
        %dma_wait3A_292 = tpu.memref_squeeze %dma_wait3A_291 : memref<1x128x144xf32, #tpu.memory_space<vmem>> -> memref<128x144xf32, #tpu.memory_space<vmem>>
        %dma_wait3A_293 = arith.constant 0 : i32
        %dma_wait3A_294 = tpu.memref_slice %arg8[%run_scoped3A_248, %run_scoped3A_249, %dma_wait3A_293] : memref<2x2x128xi32, #tpu.memory_space<vmem>> -> memref<1x1x128xi32, #tpu.memory_space<vmem>>
        %dma_wait3A_295 = tpu.memref_squeeze %dma_wait3A_294 : memref<1x1x128xi32, #tpu.memory_space<vmem>> -> memref<128xi32, #tpu.memory_space<vmem>>
        %dma_wait3A_296 = arith.constant 0 : i32
        %dma_wait3A_297 = arith.constant 0 : i32
        %dma_wait3A_298 = tpu.memref_slice %arg10[%dma_wait3A_296, %dma_wait3A_297] : memref<10240x144xf32, #tpu.memory_space<vmem_shared>> -> memref<10240x144xf32, #tpu.memory_space<vmem_shared>>
        tpu.wait_indirect_dma semaphore(%run_scoped3A_278 : memref<!tpu.dma_semaphore, #tpu.memory_space<semaphore_mem>>) src(%dma_wait3A_292 : memref<128x144xf32, #tpu.memory_space<vmem>>) dst(%dma_wait3A_298 : memref<10240x144xf32, #tpu.memory_space<vmem_shared>>)
        tpu.yield
      }) : () -> ()
      %add3A_250 = arith.constant 1 : i32
      %add3A_251 = arith.addi %add3A_220, %add3A_250 : i32
      %lt3A_252 = arith.cmpi slt, %add3A_251, %select_n3A_19 : i32
      %convert_element_type3A_253 = arith.extui %lt3A_252 : i1 to i32
      %cond3A_254 = arith.constant 0 : i32
      %cond3A_255 = arith.cmpi ne, %convert_element_type3A_253, %cond3A_254 : i32
      scf.if %cond3A_255 {
        %dma_wait3A_278 = arith.constant 0 : i32
        %dma_wait3A_279 = arith.constant 0 : i32
        %dma_wait3A_280 = arith.constant 0 : i32
        %dma_wait3A_281 = tpu.memref_slice %arg7[%dma_wait3A_278, %dma_wait3A_279, %dma_wait3A_280] : memref<2x2x128xi32, #tpu.memory_space<vmem>> -> memref<1x2x128xi32, #tpu.memory_space<vmem>>
        %dma_wait3A_282 = tpu.memref_squeeze %dma_wait3A_281 : memref<1x2x128xi32, #tpu.memory_space<vmem>> -> memref<2x128xi32, #tpu.memory_space<vmem>>
        %dma_wait3A_283 = arith.constant 0 : i32
        %dma_wait3A_284 = arith.constant 0 : i32
        %dma_wait3A_285 = tpu.memref_slice %arg3[%dma_wait3A_283, %dma_wait3A_284] : memref<2560x128xi32, #tpu.memory_space<hbm>> -> memref<2x128xi32, #tpu.memory_space<hbm>>
        %dma_wait3A_286 = arith.constant 0 : i32
        %dma_wait3A_287 = arith.constant 0 : i32
        %dma_wait3A_288 = tpu.memref_slice %arg7[%dma_wait3A_278, %dma_wait3A_286, %dma_wait3A_287] : memref<2x2x128xi32, #tpu.memory_space<vmem>> -> memref<1x2x128xi32, #tpu.memory_space<vmem>>
        %dma_wait3A_289 = tpu.memref_squeeze %dma_wait3A_288 : memref<1x2x128xi32, #tpu.memory_space<vmem>> -> memref<2x128xi32, #tpu.memory_space<vmem>>
        %dma_wait3A_290 = arith.constant 0 : i32
        %dma_wait3A_291 = arith.constant 0 : i32
        %dma_wait3A_292 = tpu.memref_slice %arg3[%dma_wait3A_290, %dma_wait3A_291] : memref<2560x128xi32, #tpu.memory_space<hbm>> -> memref<2x128xi32, #tpu.memory_space<hbm>>
        tpu.wait_dma2 semaphore(%arg13 : memref<!tpu.dma_semaphore, #tpu.memory_space<semaphore_mem>>) src(%dma_wait3A_292 : memref<2x128xi32, #tpu.memory_space<hbm>>) dst(%dma_wait3A_289 : memref<2x128xi32, #tpu.memory_space<vmem>>)
        %dma_wait3A_293 = arith.constant 0 : i32
        %dma_wait3A_294 = arith.constant 0 : i32
        %dma_wait3A_295 = arith.constant 0 : i32
        %dma_wait3A_296 = tpu.memref_slice %arg8[%dma_wait3A_293, %dma_wait3A_294, %dma_wait3A_295] : memref<2x2x128xi32, #tpu.memory_space<vmem>> -> memref<1x2x128xi32, #tpu.memory_space<vmem>>
        %dma_wait3A_297 = tpu.memref_squeeze %dma_wait3A_296 : memref<1x2x128xi32, #tpu.memory_space<vmem>> -> memref<2x128xi32, #tpu.memory_space<vmem>>
        %dma_wait3A_298 = arith.constant 0 : i32
        %dma_wait3A_299 = arith.constant 0 : i32
        %dma_wait3A_300 = tpu.memref_slice %arg4[%dma_wait3A_298, %dma_wait3A_299] : memref<2560x128xi32, #tpu.memory_space<hbm>> -> memref<2x128xi32, #tpu.memory_space<hbm>>
        %dma_wait3A_301 = arith.constant 0 : i32
        %dma_wait3A_302 = arith.constant 0 : i32
        %dma_wait3A_303 = tpu.memref_slice %arg8[%dma_wait3A_293, %dma_wait3A_301, %dma_wait3A_302] : memref<2x2x128xi32, #tpu.memory_space<vmem>> -> memref<1x2x128xi32, #tpu.memory_space<vmem>>
        %dma_wait3A_304 = tpu.memref_squeeze %dma_wait3A_303 : memref<1x2x128xi32, #tpu.memory_space<vmem>> -> memref<2x128xi32, #tpu.memory_space<vmem>>
        %dma_wait3A_305 = arith.constant 0 : i32
        %dma_wait3A_306 = arith.constant 0 : i32
        %dma_wait3A_307 = tpu.memref_slice %arg4[%dma_wait3A_305, %dma_wait3A_306] : memref<2560x128xi32, #tpu.memory_space<hbm>> -> memref<2x128xi32, #tpu.memory_space<hbm>>
        tpu.wait_dma2 semaphore(%arg13 : memref<!tpu.dma_semaphore, #tpu.memory_space<semaphore_mem>>) src(%dma_wait3A_307 : memref<2x128xi32, #tpu.memory_space<hbm>>) dst(%dma_wait3A_304 : memref<2x128xi32, #tpu.memory_space<vmem>>)
        %dma_start3A_308 = arith.constant 0 : i32
        %dma_start3A_309 = arith.constant 0 : i32
        %dma_start3A_310 = arith.constant 0 : i32
        %dma_start3A_311 = arith.constant 0 : i32
        %dma_start3A_312 = arith.constant 0 : i32
        %dma_start3A_313 = tpu.memref_slice %arg9[%dma_start3A_310, %dma_start3A_311, %dma_start3A_312] : memref<2x128x144xf32, #tpu.memory_space<vmem>> -> memref<1x128x144xf32, #tpu.memory_space<vmem>>
        %dma_start3A_314 = tpu.memref_squeeze %dma_start3A_313 : memref<1x128x144xf32, #tpu.memory_space<vmem>> -> memref<128x144xf32, #tpu.memory_space<vmem>>
        %dma_start3A_315 = arith.constant 0 : i32
        %dma_start3A_316 = tpu.memref_slice %arg7[%dma_start3A_308, %dma_start3A_309, %dma_start3A_315] : memref<2x2x128xi32, #tpu.memory_space<vmem>> -> memref<1x1x128xi32, #tpu.memory_space<vmem>>
        %dma_start3A_317 = tpu.memref_squeeze %dma_start3A_316 : memref<1x1x128xi32, #tpu.memory_space<vmem>> -> memref<128xi32, #tpu.memory_space<vmem>>
        %dma_start3A_318 = arith.constant 0 : i32
        %dma_start3A_319 = arith.constant 0 : i32
        %dma_start3A_320 = tpu.memref_slice %arg2[%dma_start3A_318, %dma_start3A_319] : memref<10240x144xf32, #tpu.memory_space<hbm>> -> memref<10240x144xf32, #tpu.memory_space<hbm>>
        tpu.enqueue_indirect_dma source(%dma_start3A_320 : memref<10240x144xf32, #tpu.memory_space<hbm>>) target(%dma_start3A_314 : memref<128x144xf32, #tpu.memory_space<vmem>>) offsets(%dma_start3A_317 : memref<128xi32, #tpu.memory_space<vmem>>) semaphore(%arg11 : memref<!tpu.dma_semaphore, #tpu.memory_space<semaphore_mem>>)
      } else {
      }
      %dma_wait3A_256 = arith.constant 1 : i32
      %dma_wait3A_257 = arith.constant 1 : i32
      %dma_wait3A_258 = arith.constant 1 : i32
      %dma_wait3A_259 = arith.constant 0 : i32
      %dma_wait3A_260 = arith.constant 0 : i32
      %dma_wait3A_261 = tpu.memref_slice %arg9[%dma_wait3A_258, %dma_wait3A_259, %dma_wait3A_260] : memref<2x128x144xf32, #tpu.memory_space<vmem>> -> memref<1x128x144xf32, #tpu.memory_space<vmem>>
      %dma_wait3A_262 = tpu.memref_squeeze %dma_wait3A_261 : memref<1x128x144xf32, #tpu.memory_space<vmem>> -> memref<128x144xf32, #tpu.memory_space<vmem>>
      %dma_wait3A_263 = arith.constant 0 : i32
      %dma_wait3A_264 = tpu.memref_slice %arg7[%dma_wait3A_256, %dma_wait3A_257, %dma_wait3A_263] : memref<2x2x128xi32, #tpu.memory_space<vmem>> -> memref<1x1x128xi32, #tpu.memory_space<vmem>>
      %dma_wait3A_265 = tpu.memref_squeeze %dma_wait3A_264 : memref<1x1x128xi32, #tpu.memory_space<vmem>> -> memref<128xi32, #tpu.memory_space<vmem>>
      %dma_wait3A_266 = arith.constant 0 : i32
      %dma_wait3A_267 = arith.constant 0 : i32
      %dma_wait3A_268 = tpu.memref_slice %arg2[%dma_wait3A_266, %dma_wait3A_267] : memref<10240x144xf32, #tpu.memory_space<hbm>> -> memref<10240x144xf32, #tpu.memory_space<hbm>>
      tpu.wait_indirect_dma semaphore(%arg12 : memref<!tpu.dma_semaphore, #tpu.memory_space<semaphore_mem>>) src(%dma_wait3A_268 : memref<10240x144xf32, #tpu.memory_space<hbm>>) dst(%dma_wait3A_262 : memref<128x144xf32, #tpu.memory_space<vmem>>)
      %run_scoped3A_269 = arith.constant 1 : i32
      %run_scoped3A_270 = arith.constant 1 : i32
      %run_scoped3A_271 = arith.constant 1 : i32
      "tpu.region"() ({
        %run_scoped3A_278 = tpu.sem_alloc : memref<!tpu.dma_semaphore, #tpu.memory_space<semaphore_mem>>
        %dma_start3A_279 = arith.constant 0 : i32
        %dma_start3A_280 = arith.constant 0 : i32
        %dma_start3A_281 = tpu.memref_slice %arg9[%run_scoped3A_269, %dma_start3A_279, %dma_start3A_280] : memref<2x128x144xf32, #tpu.memory_space<vmem>> -> memref<1x128x144xf32, #tpu.memory_space<vmem>>
        %dma_start3A_282 = tpu.memref_squeeze %dma_start3A_281 : memref<1x128x144xf32, #tpu.memory_space<vmem>> -> memref<128x144xf32, #tpu.memory_space<vmem>>
        %dma_start3A_283 = arith.constant 0 : i32
        %dma_start3A_284 = tpu.memref_slice %arg8[%run_scoped3A_270, %run_scoped3A_271, %dma_start3A_283] : memref<2x2x128xi32, #tpu.memory_space<vmem>> -> memref<1x1x128xi32, #tpu.memory_space<vmem>>
        %dma_start3A_285 = tpu.memref_squeeze %dma_start3A_284 : memref<1x1x128xi32, #tpu.memory_space<vmem>> -> memref<128xi32, #tpu.memory_space<vmem>>
        %dma_start3A_286 = arith.constant 0 : i32
        %dma_start3A_287 = arith.constant 0 : i32
        %dma_start3A_288 = tpu.memref_slice %arg10[%dma_start3A_286, %dma_start3A_287] : memref<10240x144xf32, #tpu.memory_space<vmem_shared>> -> memref<10240x144xf32, #tpu.memory_space<vmem_shared>>
        tpu.enqueue_indirect_dma source(%dma_start3A_282 : memref<128x144xf32, #tpu.memory_space<vmem>>) target(%dma_start3A_288 : memref<10240x144xf32, #tpu.memory_space<vmem_shared>>) offsets(%dma_start3A_285 : memref<128xi32, #tpu.memory_space<vmem>>) semaphore(%run_scoped3A_278 : memref<!tpu.dma_semaphore, #tpu.memory_space<semaphore_mem>>) {add = true}
        %dma_wait3A_289 = arith.constant 0 : i32
        %dma_wait3A_290 = arith.constant 0 : i32
        %dma_wait3A_291 = tpu.memref_slice %arg9[%run_scoped3A_269, %dma_wait3A_289, %dma_wait3A_290] : memref<2x128x144xf32, #tpu.memory_space<vmem>> -> memref<1x128x144xf32, #tpu.memory_space<vmem>>
        %dma_wait3A_292 = tpu.memref_squeeze %dma_wait3A_291 : memref<1x128x144xf32, #tpu.memory_space<vmem>> -> memref<128x144xf32, #tpu.memory_space<vmem>>
        %dma_wait3A_293 = arith.constant 0 : i32
        %dma_wait3A_294 = tpu.memref_slice %arg8[%run_scoped3A_270, %run_scoped3A_271, %dma_wait3A_293] : memref<2x2x128xi32, #tpu.memory_space<vmem>> -> memref<1x1x128xi32, #tpu.memory_space<vmem>>
        %dma_wait3A_295 = tpu.memref_squeeze %dma_wait3A_294 : memref<1x1x128xi32, #tpu.memory_space<vmem>> -> memref<128xi32, #tpu.memory_space<vmem>>
        %dma_wait3A_296 = arith.constant 0 : i32
        %dma_wait3A_297 = arith.constant 0 : i32
        %dma_wait3A_298 = tpu.memref_slice %arg10[%dma_wait3A_296, %dma_wait3A_297] : memref<10240x144xf32, #tpu.memory_space<vmem_shared>> -> memref<10240x144xf32, #tpu.memory_space<vmem_shared>>
        tpu.wait_indirect_dma semaphore(%run_scoped3A_278 : memref<!tpu.dma_semaphore, #tpu.memory_space<semaphore_mem>>) src(%dma_wait3A_292 : memref<128x144xf32, #tpu.memory_space<vmem>>) dst(%dma_wait3A_298 : memref<10240x144xf32, #tpu.memory_space<vmem_shared>>)
        tpu.yield
      }) : () -> ()
      %add3A_272 = arith.constant 2 : i32
      %add3A_273 = arith.addi %add3A_220, %add3A_272 : i32
      %lt3A_274 = arith.cmpi slt, %add3A_273, %select_n3A_19 : i32
      %convert_element_type3A_275 = arith.extui %lt3A_274 : i1 to i32
      %cond3A_276 = arith.constant 0 : i32
      %cond3A_277 = arith.cmpi ne, %convert_element_type3A_275, %cond3A_276 : i32
      scf.if %cond3A_277 {
        %add3A_278 = arith.constant 2 : i32
        %add3A_279 = arith.addi %add3A_220, %add3A_278 : i32
        %mul3A_280 = arith.constant 2 : i32
        %mul3A_281 = arith.muli %add3A_279, %mul3A_280 : i32
        %add3A_282 = arith.addi %add3A, %mul3A_281 : i32
        %dma_start3A_283 = arith.constant 1 : i32
        %dma_start3A_284 = arith.constant 0 : i32
        %dma_start3A_285 = arith.constant 0 : i32
        %dma_start3A_286 = tpu.memref_slice %arg7[%dma_start3A_283, %dma_start3A_284, %dma_start3A_285] : memref<2x2x128xi32, #tpu.memory_space<vmem>> -> memref<1x2x128xi32, #tpu.memory_space<vmem>>
        %dma_start3A_287 = tpu.memref_squeeze %dma_start3A_286 : memref<1x2x128xi32, #tpu.memory_space<vmem>> -> memref<2x128xi32, #tpu.memory_space<vmem>>
        %dma_start3A_288 = arith.constant 0 : i32
        %dma_start3A_289 = tpu.memref_slice %arg3[%add3A_282, %dma_start3A_288] : memref<2560x128xi32, #tpu.memory_space<hbm>> -> memref<2x128xi32, #tpu.memory_space<hbm>>
        %dma_start3A_290 = arith.constant 0 : i32
        %dma_start3A_291 = arith.constant 0 : i32
        %dma_start3A_292 = tpu.memref_slice %arg7[%dma_start3A_283, %dma_start3A_290, %dma_start3A_291] : memref<2x2x128xi32, #tpu.memory_space<vmem>> -> memref<1x2x128xi32, #tpu.memory_space<vmem>>
        %dma_start3A_293 = tpu.memref_squeeze %dma_start3A_292 : memref<1x2x128xi32, #tpu.memory_space<vmem>> -> memref<2x128xi32, #tpu.memory_space<vmem>>
        %dma_start3A_294 = arith.constant 0 : i32
        %dma_start3A_295 = tpu.memref_slice %arg3[%add3A_282, %dma_start3A_294] : memref<2560x128xi32, #tpu.memory_space<hbm>> -> memref<2x128xi32, #tpu.memory_space<hbm>>
        tpu.enqueue_dma source(%dma_start3A_295 : memref<2x128xi32, #tpu.memory_space<hbm>>) target(%dma_start3A_293 : memref<2x128xi32, #tpu.memory_space<vmem>>) target_semaphore(%arg14 : memref<!tpu.dma_semaphore, #tpu.memory_space<semaphore_mem>>)
        %mul3A_296 = arith.constant 2 : i32
        %mul3A_297 = arith.muli %add3A_279, %mul3A_296 : i32
        %add3A_298 = arith.addi %add3A, %mul3A_297 : i32
        %dma_start3A_299 = arith.constant 1 : i32
        %dma_start3A_300 = arith.constant 0 : i32
        %dma_start3A_301 = arith.constant 0 : i32
        %dma_start3A_302 = tpu.memref_slice %arg8[%dma_start3A_299, %dma_start3A_300, %dma_start3A_301] : memref<2x2x128xi32, #tpu.memory_space<vmem>> -> memref<1x2x128xi32, #tpu.memory_space<vmem>>
        %dma_start3A_303 = tpu.memref_squeeze %dma_start3A_302 : memref<1x2x128xi32, #tpu.memory_space<vmem>> -> memref<2x128xi32, #tpu.memory_space<vmem>>
        %dma_start3A_304 = arith.constant 0 : i32
        %dma_start3A_305 = tpu.memref_slice %arg4[%add3A_298, %dma_start3A_304] : memref<2560x128xi32, #tpu.memory_space<hbm>> -> memref<2x128xi32, #tpu.memory_space<hbm>>
        %dma_start3A_306 = arith.constant 0 : i32
        %dma_start3A_307 = arith.constant 0 : i32
        %dma_start3A_308 = tpu.memref_slice %arg8[%dma_start3A_299, %dma_start3A_306, %dma_start3A_307] : memref<2x2x128xi32, #tpu.memory_space<vmem>> -> memref<1x2x128xi32, #tpu.memory_space<vmem>>
        %dma_start3A_309 = tpu.memref_squeeze %dma_start3A_308 : memref<1x2x128xi32, #tpu.memory_space<vmem>> -> memref<2x128xi32, #tpu.memory_space<vmem>>
        %dma_start3A_310 = arith.constant 0 : i32
        %dma_start3A_311 = tpu.memref_slice %arg4[%add3A_298, %dma_start3A_310] : memref<2560x128xi32, #tpu.memory_space<hbm>> -> memref<2x128xi32, #tpu.memory_space<hbm>>
        tpu.enqueue_dma source(%dma_start3A_311 : memref<2x128xi32, #tpu.memory_space<hbm>>) target(%dma_start3A_309 : memref<2x128xi32, #tpu.memory_space<vmem>>) target_semaphore(%arg14 : memref<!tpu.dma_semaphore, #tpu.memory_space<semaphore_mem>>)
      } else {
      }
    }
    %while3A_157 = arith.constant 1 : i32
    scf.for %while3A_159 = %while3A_155 to %while3A_151 step %while3A_157  : i32 {
      %mul3A_160 = arith.constant 2 : i32
      %mul3A_161 = arith.muli %while3A_159, %mul3A_160 : i32
      %add3A_162 = arith.constant 0 : i32
      %add3A_163 = arith.addi %mul3A_161, %add3A_162 : i32
      %dma_start3A_164 = arith.constant 0 : i32
      %dma_start3A_165 = arith.constant 1 : i32
      %dma_start3A_166 = arith.constant 1 : i32
      %dma_start3A_167 = arith.constant 0 : i32
      %dma_start3A_168 = arith.constant 0 : i32
      %dma_start3A_169 = tpu.memref_slice %arg9[%dma_start3A_166, %dma_start3A_167, %dma_start3A_168] : memref<2x128x144xf32, #tpu.memory_space<vmem>> -> memref<1x128x144xf32, #tpu.memory_space<vmem>>
      %dma_start3A_170 = tpu.memref_squeeze %dma_start3A_169 : memref<1x128x144xf32, #tpu.memory_space<vmem>> -> memref<128x144xf32, #tpu.memory_space<vmem>>
      %dma_start3A_171 = arith.constant 0 : i32
      %dma_start3A_172 = tpu.memref_slice %arg7[%dma_start3A_164, %dma_start3A_165, %dma_start3A_171] : memref<2x2x128xi32, #tpu.memory_space<vmem>> -> memref<1x1x128xi32, #tpu.memory_space<vmem>>
      %dma_start3A_173 = tpu.memref_squeeze %dma_start3A_172 : memref<1x1x128xi32, #tpu.memory_space<vmem>> -> memref<128xi32, #tpu.memory_space<vmem>>
      %dma_start3A_174 = arith.constant 0 : i32
      %dma_start3A_175 = arith.constant 0 : i32
      %dma_start3A_176 = tpu.memref_slice %arg2[%dma_start3A_174, %dma_start3A_175] : memref<10240x144xf32, #tpu.memory_space<hbm>> -> memref<10240x144xf32, #tpu.memory_space<hbm>>
      tpu.enqueue_indirect_dma source(%dma_start3A_176 : memref<10240x144xf32, #tpu.memory_space<hbm>>) target(%dma_start3A_170 : memref<128x144xf32, #tpu.memory_space<vmem>>) offsets(%dma_start3A_173 : memref<128xi32, #tpu.memory_space<vmem>>) semaphore(%arg12 : memref<!tpu.dma_semaphore, #tpu.memory_space<semaphore_mem>>)
      %dma_wait3A_177 = arith.constant 0 : i32
      %dma_wait3A_178 = arith.constant 0 : i32
      %dma_wait3A_179 = arith.constant 0 : i32
      %dma_wait3A_180 = arith.constant 0 : i32
      %dma_wait3A_181 = arith.constant 0 : i32
      %dma_wait3A_182 = tpu.memref_slice %arg9[%dma_wait3A_179, %dma_wait3A_180, %dma_wait3A_181] : memref<2x128x144xf32, #tpu.memory_space<vmem>> -> memref<1x128x144xf32, #tpu.memory_space<vmem>>
      %dma_wait3A_183 = tpu.memref_squeeze %dma_wait3A_182 : memref<1x128x144xf32, #tpu.memory_space<vmem>> -> memref<128x144xf32, #tpu.memory_space<vmem>>
      %dma_wait3A_184 = arith.constant 0 : i32
      %dma_wait3A_185 = tpu.memref_slice %arg7[%dma_wait3A_177, %dma_wait3A_178, %dma_wait3A_184] : memref<2x2x128xi32, #tpu.memory_space<vmem>> -> memref<1x1x128xi32, #tpu.memory_space<vmem>>
      %dma_wait3A_186 = tpu.memref_squeeze %dma_wait3A_185 : memref<1x1x128xi32, #tpu.memory_space<vmem>> -> memref<128xi32, #tpu.memory_space<vmem>>
      %dma_wait3A_187 = arith.constant 0 : i32
      %dma_wait3A_188 = arith.constant 0 : i32
      %dma_wait3A_189 = tpu.memref_slice %arg2[%dma_wait3A_187, %dma_wait3A_188] : memref<10240x144xf32, #tpu.memory_space<hbm>> -> memref<10240x144xf32, #tpu.memory_space<hbm>>
      tpu.wait_indirect_dma semaphore(%arg11 : memref<!tpu.dma_semaphore, #tpu.memory_space<semaphore_mem>>) src(%dma_wait3A_189 : memref<10240x144xf32, #tpu.memory_space<hbm>>) dst(%dma_wait3A_183 : memref<128x144xf32, #tpu.memory_space<vmem>>)
      %run_scoped3A = arith.constant 0 : i32
      %run_scoped3A_190 = arith.constant 0 : i32
      %run_scoped3A_191 = arith.constant 0 : i32
      "tpu.region"() ({
        %run_scoped3A_278 = tpu.sem_alloc : memref<!tpu.dma_semaphore, #tpu.memory_space<semaphore_mem>>
        %dma_start3A_279 = arith.constant 0 : i32
        %dma_start3A_280 = arith.constant 0 : i32
        %dma_start3A_281 = tpu.memref_slice %arg9[%run_scoped3A, %dma_start3A_279, %dma_start3A_280] : memref<2x128x144xf32, #tpu.memory_space<vmem>> -> memref<1x128x144xf32, #tpu.memory_space<vmem>>
        %dma_start3A_282 = tpu.memref_squeeze %dma_start3A_281 : memref<1x128x144xf32, #tpu.memory_space<vmem>> -> memref<128x144xf32, #tpu.memory_space<vmem>>
        %dma_start3A_283 = arith.constant 0 : i32
        %dma_start3A_284 = tpu.memref_slice %arg8[%run_scoped3A_190, %run_scoped3A_191, %dma_start3A_283] : memref<2x2x128xi32, #tpu.memory_space<vmem>> -> memref<1x1x128xi32, #tpu.memory_space<vmem>>
        %dma_start3A_285 = tpu.memref_squeeze %dma_start3A_284 : memref<1x1x128xi32, #tpu.memory_space<vmem>> -> memref<128xi32, #tpu.memory_space<vmem>>
        %dma_start3A_286 = arith.constant 0 : i32
        %dma_start3A_287 = arith.constant 0 : i32
        %dma_start3A_288 = tpu.memref_slice %arg10[%dma_start3A_286, %dma_start3A_287] : memref<10240x144xf32, #tpu.memory_space<vmem_shared>> -> memref<10240x144xf32, #tpu.memory_space<vmem_shared>>
        tpu.enqueue_indirect_dma source(%dma_start3A_282 : memref<128x144xf32, #tpu.memory_space<vmem>>) target(%dma_start3A_288 : memref<10240x144xf32, #tpu.memory_space<vmem_shared>>) offsets(%dma_start3A_285 : memref<128xi32, #tpu.memory_space<vmem>>) semaphore(%run_scoped3A_278 : memref<!tpu.dma_semaphore, #tpu.memory_space<semaphore_mem>>) {add = true}
        %dma_wait3A_289 = arith.constant 0 : i32
        %dma_wait3A_290 = arith.constant 0 : i32
        %dma_wait3A_291 = tpu.memref_slice %arg9[%run_scoped3A, %dma_wait3A_289, %dma_wait3A_290] : memref<2x128x144xf32, #tpu.memory_space<vmem>> -> memref<1x128x144xf32, #tpu.memory_space<vmem>>
        %dma_wait3A_292 = tpu.memref_squeeze %dma_wait3A_291 : memref<1x128x144xf32, #tpu.memory_space<vmem>> -> memref<128x144xf32, #tpu.memory_space<vmem>>
        %dma_wait3A_293 = arith.constant 0 : i32
        %dma_wait3A_294 = tpu.memref_slice %arg8[%run_scoped3A_190, %run_scoped3A_191, %dma_wait3A_293] : memref<2x2x128xi32, #tpu.memory_space<vmem>> -> memref<1x1x128xi32, #tpu.memory_space<vmem>>
        %dma_wait3A_295 = tpu.memref_squeeze %dma_wait3A_294 : memref<1x1x128xi32, #tpu.memory_space<vmem>> -> memref<128xi32, #tpu.memory_space<vmem>>
        %dma_wait3A_296 = arith.constant 0 : i32
        %dma_wait3A_297 = arith.constant 0 : i32
        %dma_wait3A_298 = tpu.memref_slice %arg10[%dma_wait3A_296, %dma_wait3A_297] : memref<10240x144xf32, #tpu.memory_space<vmem_shared>> -> memref<10240x144xf32, #tpu.memory_space<vmem_shared>>
        tpu.wait_indirect_dma semaphore(%run_scoped3A_278 : memref<!tpu.dma_semaphore, #tpu.memory_space<semaphore_mem>>) src(%dma_wait3A_292 : memref<128x144xf32, #tpu.memory_space<vmem>>) dst(%dma_wait3A_298 : memref<10240x144xf32, #tpu.memory_space<vmem_shared>>)
        tpu.yield
      }) : () -> ()
      %add3A_192 = arith.constant 1 : i32
      %add3A_193 = arith.addi %add3A_163, %add3A_192 : i32
      %lt3A = arith.cmpi slt, %add3A_193, %select_n3A_19 : i32
      %convert_element_type3A = arith.extui %lt3A : i1 to i32
      %cond3A = arith.constant 0 : i32
      %cond3A_194 = arith.cmpi ne, %convert_element_type3A, %cond3A : i32
      scf.if %cond3A_194 {
        %dma_wait3A_278 = arith.constant 1 : i32
        %dma_wait3A_279 = arith.constant 0 : i32
        %dma_wait3A_280 = arith.constant 0 : i32
        %dma_wait3A_281 = tpu.memref_slice %arg7[%dma_wait3A_278, %dma_wait3A_279, %dma_wait3A_280] : memref<2x2x128xi32, #tpu.memory_space<vmem>> -> memref<1x2x128xi32, #tpu.memory_space<vmem>>
        %dma_wait3A_282 = tpu.memref_squeeze %dma_wait3A_281 : memref<1x2x128xi32, #tpu.memory_space<vmem>> -> memref<2x128xi32, #tpu.memory_space<vmem>>
        %dma_wait3A_283 = arith.constant 0 : i32
        %dma_wait3A_284 = arith.constant 0 : i32
        %dma_wait3A_285 = tpu.memref_slice %arg3[%dma_wait3A_283, %dma_wait3A_284] : memref<2560x128xi32, #tpu.memory_space<hbm>> -> memref<2x128xi32, #tpu.memory_space<hbm>>
        %dma_wait3A_286 = arith.constant 0 : i32
        %dma_wait3A_287 = arith.constant 0 : i32
        %dma_wait3A_288 = tpu.memref_slice %arg7[%dma_wait3A_278, %dma_wait3A_286, %dma_wait3A_287] : memref<2x2x128xi32, #tpu.memory_space<vmem>> -> memref<1x2x128xi32, #tpu.memory_space<vmem>>
        %dma_wait3A_289 = tpu.memref_squeeze %dma_wait3A_288 : memref<1x2x128xi32, #tpu.memory_space<vmem>> -> memref<2x128xi32, #tpu.memory_space<vmem>>
        %dma_wait3A_290 = arith.constant 0 : i32
        %dma_wait3A_291 = arith.constant 0 : i32
        %dma_wait3A_292 = tpu.memref_slice %arg3[%dma_wait3A_290, %dma_wait3A_291] : memref<2560x128xi32, #tpu.memory_space<hbm>> -> memref<2x128xi32, #tpu.memory_space<hbm>>
        tpu.wait_dma2 semaphore(%arg14 : memref<!tpu.dma_semaphore, #tpu.memory_space<semaphore_mem>>) src(%dma_wait3A_292 : memref<2x128xi32, #tpu.memory_space<hbm>>) dst(%dma_wait3A_289 : memref<2x128xi32, #tpu.memory_space<vmem>>)
        %dma_wait3A_293 = arith.constant 1 : i32
        %dma_wait3A_294 = arith.constant 0 : i32
        %dma_wait3A_295 = arith.constant 0 : i32
        %dma_wait3A_296 = tpu.memref_slice %arg8[%dma_wait3A_293, %dma_wait3A_294, %dma_wait3A_295] : memref<2x2x128xi32, #tpu.memory_space<vmem>> -> memref<1x2x128xi32, #tpu.memory_space<vmem>>
        %dma_wait3A_297 = tpu.memref_squeeze %dma_wait3A_296 : memref<1x2x128xi32, #tpu.memory_space<vmem>> -> memref<2x128xi32, #tpu.memory_space<vmem>>
        %dma_wait3A_298 = arith.constant 0 : i32
        %dma_wait3A_299 = arith.constant 0 : i32
        %dma_wait3A_300 = tpu.memref_slice %arg4[%dma_wait3A_298, %dma_wait3A_299] : memref<2560x128xi32, #tpu.memory_space<hbm>> -> memref<2x128xi32, #tpu.memory_space<hbm>>
        %dma_wait3A_301 = arith.constant 0 : i32
        %dma_wait3A_302 = arith.constant 0 : i32
        %dma_wait3A_303 = tpu.memref_slice %arg8[%dma_wait3A_293, %dma_wait3A_301, %dma_wait3A_302] : memref<2x2x128xi32, #tpu.memory_space<vmem>> -> memref<1x2x128xi32, #tpu.memory_space<vmem>>
        %dma_wait3A_304 = tpu.memref_squeeze %dma_wait3A_303 : memref<1x2x128xi32, #tpu.memory_space<vmem>> -> memref<2x128xi32, #tpu.memory_space<vmem>>
        %dma_wait3A_305 = arith.constant 0 : i32
        %dma_wait3A_306 = arith.constant 0 : i32
        %dma_wait3A_307 = tpu.memref_slice %arg4[%dma_wait3A_305, %dma_wait3A_306] : memref<2560x128xi32, #tpu.memory_space<hbm>> -> memref<2x128xi32, #tpu.memory_space<hbm>>
        tpu.wait_dma2 semaphore(%arg14 : memref<!tpu.dma_semaphore, #tpu.memory_space<semaphore_mem>>) src(%dma_wait3A_307 : memref<2x128xi32, #tpu.memory_space<hbm>>) dst(%dma_wait3A_304 : memref<2x128xi32, #tpu.memory_space<vmem>>)
        %dma_start3A_308 = arith.constant 1 : i32
        %dma_start3A_309 = arith.constant 0 : i32
        %dma_start3A_310 = arith.constant 0 : i32
        %dma_start3A_311 = arith.constant 0 : i32
        %dma_start3A_312 = arith.constant 0 : i32
        %dma_start3A_313 = tpu.memref_slice %arg9[%dma_start3A_310, %dma_start3A_311, %dma_start3A_312] : memref<2x128x144xf32, #tpu.memory_space<vmem>> -> memref<1x128x144xf32, #tpu.memory_space<vmem>>
        %dma_start3A_314 = tpu.memref_squeeze %dma_start3A_313 : memref<1x128x144xf32, #tpu.memory_space<vmem>> -> memref<128x144xf32, #tpu.memory_space<vmem>>
        %dma_start3A_315 = arith.constant 0 : i32
        %dma_start3A_316 = tpu.memref_slice %arg7[%dma_start3A_308, %dma_start3A_309, %dma_start3A_315] : memref<2x2x128xi32, #tpu.memory_space<vmem>> -> memref<1x1x128xi32, #tpu.memory_space<vmem>>
        %dma_start3A_317 = tpu.memref_squeeze %dma_start3A_316 : memref<1x1x128xi32, #tpu.memory_space<vmem>> -> memref<128xi32, #tpu.memory_space<vmem>>
        %dma_start3A_318 = arith.constant 0 : i32
        %dma_start3A_319 = arith.constant 0 : i32
        %dma_start3A_320 = tpu.memref_slice %arg2[%dma_start3A_318, %dma_start3A_319] : memref<10240x144xf32, #tpu.memory_space<hbm>> -> memref<10240x144xf32, #tpu.memory_space<hbm>>
        tpu.enqueue_indirect_dma source(%dma_start3A_320 : memref<10240x144xf32, #tpu.memory_space<hbm>>) target(%dma_start3A_314 : memref<128x144xf32, #tpu.memory_space<vmem>>) offsets(%dma_start3A_317 : memref<128xi32, #tpu.memory_space<vmem>>) semaphore(%arg11 : memref<!tpu.dma_semaphore, #tpu.memory_space<semaphore_mem>>)
      } else {
      }
      %dma_wait3A_195 = arith.constant 0 : i32
      %dma_wait3A_196 = arith.constant 1 : i32
      %dma_wait3A_197 = arith.constant 1 : i32
      %dma_wait3A_198 = arith.constant 0 : i32
      %dma_wait3A_199 = arith.constant 0 : i32
      %dma_wait3A_200 = tpu.memref_slice %arg9[%dma_wait3A_197, %dma_wait3A_198, %dma_wait3A_199] : memref<2x128x144xf32, #tpu.memory_space<vmem>> -> memref<1x128x144xf32, #tpu.memory_space<vmem>>
      %dma_wait3A_201 = tpu.memref_squeeze %dma_wait3A_200 : memref<1x128x144xf32, #tpu.memory_space<vmem>> -> memref<128x144xf32, #tpu.memory_space<vmem>>
      %dma_wait3A_202 = arith.constant 0 : i32
      %dma_wait3A_203 = tpu.memref_slice %arg7[%dma_wait3A_195, %dma_wait3A_196, %dma_wait3A_202] : memref<2x2x128xi32, #tpu.memory_space<vmem>> -> memref<1x1x128xi32, #tpu.memory_space<vmem>>
      %dma_wait3A_204 = tpu.memref_squeeze %dma_wait3A_203 : memref<1x1x128xi32, #tpu.memory_space<vmem>> -> memref<128xi32, #tpu.memory_space<vmem>>
      %dma_wait3A_205 = arith.constant 0 : i32
      %dma_wait3A_206 = arith.constant 0 : i32
      %dma_wait3A_207 = tpu.memref_slice %arg2[%dma_wait3A_205, %dma_wait3A_206] : memref<10240x144xf32, #tpu.memory_space<hbm>> -> memref<10240x144xf32, #tpu.memory_space<hbm>>
      tpu.wait_indirect_dma semaphore(%arg12 : memref<!tpu.dma_semaphore, #tpu.memory_space<semaphore_mem>>) src(%dma_wait3A_207 : memref<10240x144xf32, #tpu.memory_space<hbm>>) dst(%dma_wait3A_201 : memref<128x144xf32, #tpu.memory_space<vmem>>)
      %run_scoped3A_208 = arith.constant 1 : i32
      %run_scoped3A_209 = arith.constant 0 : i32
      %run_scoped3A_210 = arith.constant 1 : i32
      "tpu.region"() ({
        %run_scoped3A_278 = tpu.sem_alloc : memref<!tpu.dma_semaphore, #tpu.memory_space<semaphore_mem>>
        %dma_start3A_279 = arith.constant 0 : i32
        %dma_start3A_280 = arith.constant 0 : i32
        %dma_start3A_281 = tpu.memref_slice %arg9[%run_scoped3A_208, %dma_start3A_279, %dma_start3A_280] : memref<2x128x144xf32, #tpu.memory_space<vmem>> -> memref<1x128x144xf32, #tpu.memory_space<vmem>>
        %dma_start3A_282 = tpu.memref_squeeze %dma_start3A_281 : memref<1x128x144xf32, #tpu.memory_space<vmem>> -> memref<128x144xf32, #tpu.memory_space<vmem>>
        %dma_start3A_283 = arith.constant 0 : i32
        %dma_start3A_284 = tpu.memref_slice %arg8[%run_scoped3A_209, %run_scoped3A_210, %dma_start3A_283] : memref<2x2x128xi32, #tpu.memory_space<vmem>> -> memref<1x1x128xi32, #tpu.memory_space<vmem>>
        %dma_start3A_285 = tpu.memref_squeeze %dma_start3A_284 : memref<1x1x128xi32, #tpu.memory_space<vmem>> -> memref<128xi32, #tpu.memory_space<vmem>>
        %dma_start3A_286 = arith.constant 0 : i32
        %dma_start3A_287 = arith.constant 0 : i32
        %dma_start3A_288 = tpu.memref_slice %arg10[%dma_start3A_286, %dma_start3A_287] : memref<10240x144xf32, #tpu.memory_space<vmem_shared>> -> memref<10240x144xf32, #tpu.memory_space<vmem_shared>>
        tpu.enqueue_indirect_dma source(%dma_start3A_282 : memref<128x144xf32, #tpu.memory_space<vmem>>) target(%dma_start3A_288 : memref<10240x144xf32, #tpu.memory_space<vmem_shared>>) offsets(%dma_start3A_285 : memref<128xi32, #tpu.memory_space<vmem>>) semaphore(%run_scoped3A_278 : memref<!tpu.dma_semaphore, #tpu.memory_space<semaphore_mem>>) {add = true}
        %dma_wait3A_289 = arith.constant 0 : i32
        %dma_wait3A_290 = arith.constant 0 : i32
        %dma_wait3A_291 = tpu.memref_slice %arg9[%run_scoped3A_208, %dma_wait3A_289, %dma_wait3A_290] : memref<2x128x144xf32, #tpu.memory_space<vmem>> -> memref<1x128x144xf32, #tpu.memory_space<vmem>>
        %dma_wait3A_292 = tpu.memref_squeeze %dma_wait3A_291 : memref<1x128x144xf32, #tpu.memory_space<vmem>> -> memref<128x144xf32, #tpu.memory_space<vmem>>
        %dma_wait3A_293 = arith.constant 0 : i32
        %dma_wait3A_294 = tpu.memref_slice %arg8[%run_scoped3A_209, %run_scoped3A_210, %dma_wait3A_293] : memref<2x2x128xi32, #tpu.memory_space<vmem>> -> memref<1x1x128xi32, #tpu.memory_space<vmem>>
        %dma_wait3A_295 = tpu.memref_squeeze %dma_wait3A_294 : memref<1x1x128xi32, #tpu.memory_space<vmem>> -> memref<128xi32, #tpu.memory_space<vmem>>
        %dma_wait3A_296 = arith.constant 0 : i32
        %dma_wait3A_297 = arith.constant 0 : i32
        %dma_wait3A_298 = tpu.memref_slice %arg10[%dma_wait3A_296, %dma_wait3A_297] : memref<10240x144xf32, #tpu.memory_space<vmem_shared>> -> memref<10240x144xf32, #tpu.memory_space<vmem_shared>>
        tpu.wait_indirect_dma semaphore(%run_scoped3A_278 : memref<!tpu.dma_semaphore, #tpu.memory_space<semaphore_mem>>) src(%dma_wait3A_292 : memref<128x144xf32, #tpu.memory_space<vmem>>) dst(%dma_wait3A_298 : memref<10240x144xf32, #tpu.memory_space<vmem_shared>>)
        tpu.yield
      }) : () -> ()
      %add3A_211 = arith.constant 2 : i32
      %add3A_212 = arith.addi %add3A_163, %add3A_211 : i32
      %lt3A_213 = arith.cmpi slt, %add3A_212, %select_n3A_19 : i32
      %convert_element_type3A_214 = arith.extui %lt3A_213 : i1 to i32
      %cond3A_215 = arith.constant 0 : i32
      %cond3A_216 = arith.cmpi ne, %convert_element_type3A_214, %cond3A_215 : i32
      scf.if %cond3A_216 {
        %add3A_278 = arith.constant 2 : i32
        %add3A_279 = arith.addi %add3A_163, %add3A_278 : i32
        %mul3A_280 = arith.constant 2 : i32
        %mul3A_281 = arith.muli %add3A_279, %mul3A_280 : i32
        %add3A_282 = arith.addi %add3A, %mul3A_281 : i32
        %dma_start3A_283 = arith.constant 0 : i32
        %dma_start3A_284 = arith.constant 0 : i32
        %dma_start3A_285 = arith.constant 0 : i32
        %dma_start3A_286 = tpu.memref_slice %arg7[%dma_start3A_283, %dma_start3A_284, %dma_start3A_285] : memref<2x2x128xi32, #tpu.memory_space<vmem>> -> memref<1x2x128xi32, #tpu.memory_space<vmem>>
        %dma_start3A_287 = tpu.memref_squeeze %dma_start3A_286 : memref<1x2x128xi32, #tpu.memory_space<vmem>> -> memref<2x128xi32, #tpu.memory_space<vmem>>
        %dma_start3A_288 = arith.constant 0 : i32
        %dma_start3A_289 = tpu.memref_slice %arg3[%add3A_282, %dma_start3A_288] : memref<2560x128xi32, #tpu.memory_space<hbm>> -> memref<2x128xi32, #tpu.memory_space<hbm>>
        %dma_start3A_290 = arith.constant 0 : i32
        %dma_start3A_291 = arith.constant 0 : i32
        %dma_start3A_292 = tpu.memref_slice %arg7[%dma_start3A_283, %dma_start3A_290, %dma_start3A_291] : memref<2x2x128xi32, #tpu.memory_space<vmem>> -> memref<1x2x128xi32, #tpu.memory_space<vmem>>
        %dma_start3A_293 = tpu.memref_squeeze %dma_start3A_292 : memref<1x2x128xi32, #tpu.memory_space<vmem>> -> memref<2x128xi32, #tpu.memory_space<vmem>>
        %dma_start3A_294 = arith.constant 0 : i32
        %dma_start3A_295 = tpu.memref_slice %arg3[%add3A_282, %dma_start3A_294] : memref<2560x128xi32, #tpu.memory_space<hbm>> -> memref<2x128xi32, #tpu.memory_space<hbm>>
        tpu.enqueue_dma source(%dma_start3A_295 : memref<2x128xi32, #tpu.memory_space<hbm>>) target(%dma_start3A_293 : memref<2x128xi32, #tpu.memory_space<vmem>>) target_semaphore(%arg13 : memref<!tpu.dma_semaphore, #tpu.memory_space<semaphore_mem>>)
        %mul3A_296 = arith.constant 2 : i32
        %mul3A_297 = arith.muli %add3A_279, %mul3A_296 : i32
        %add3A_298 = arith.addi %add3A, %mul3A_297 : i32
        %dma_start3A_299 = arith.constant 0 : i32
        %dma_start3A_300 = arith.constant 0 : i32
        %dma_start3A_301 = arith.constant 0 : i32
        %dma_start3A_302 = tpu.memref_slice %arg8[%dma_start3A_299, %dma_start3A_300, %dma_start3A_301] : memref<2x2x128xi32, #tpu.memory_space<vmem>> -> memref<1x2x128xi32, #tpu.memory_space<vmem>>
        %dma_start3A_303 = tpu.memref_squeeze %dma_start3A_302 : memref<1x2x128xi32, #tpu.memory_space<vmem>> -> memref<2x128xi32, #tpu.memory_space<vmem>>
        %dma_start3A_304 = arith.constant 0 : i32
        %dma_start3A_305 = tpu.memref_slice %arg4[%add3A_298, %dma_start3A_304] : memref<2560x128xi32, #tpu.memory_space<hbm>> -> memref<2x128xi32, #tpu.memory_space<hbm>>
        %dma_start3A_306 = arith.constant 0 : i32
        %dma_start3A_307 = arith.constant 0 : i32
        %dma_start3A_308 = tpu.memref_slice %arg8[%dma_start3A_299, %dma_start3A_306, %dma_start3A_307] : memref<2x2x128xi32, #tpu.memory_space<vmem>> -> memref<1x2x128xi32, #tpu.memory_space<vmem>>
        %dma_start3A_309 = tpu.memref_squeeze %dma_start3A_308 : memref<1x2x128xi32, #tpu.memory_space<vmem>> -> memref<2x128xi32, #tpu.memory_space<vmem>>
        %dma_start3A_310 = arith.constant 0 : i32
        %dma_start3A_311 = tpu.memref_slice %arg4[%add3A_298, %dma_start3A_310] : memref<2560x128xi32, #tpu.memory_space<hbm>> -> memref<2x128xi32, #tpu.memory_space<hbm>>
        tpu.enqueue_dma source(%dma_start3A_311 : memref<2x128xi32, #tpu.memory_space<hbm>>) target(%dma_start3A_309 : memref<2x128xi32, #tpu.memory_space<vmem>>) target_semaphore(%arg13 : memref<!tpu.dma_semaphore, #tpu.memory_space<semaphore_mem>>)
      } else {
      }
      %mul3A_217 = arith.constant 2 : i32
      %mul3A_218 = arith.muli %while3A_159, %mul3A_217 : i32
      %add3A_219 = arith.constant 1 : i32
      %add3A_220 = arith.addi %mul3A_218, %add3A_219 : i32
      %dma_start3A_221 = arith.constant 1 : i32
      %dma_start3A_222 = arith.constant 1 : i32
      %dma_start3A_223 = arith.constant 1 : i32
      %dma_start3A_224 = arith.constant 0 : i32
      %dma_start3A_225 = arith.constant 0 : i32
      %dma_start3A_226 = tpu.memref_slice %arg9[%dma_start3A_223, %dma_start3A_224, %dma_start3A_225] : memref<2x128x144xf32, #tpu.memory_space<vmem>> -> memref<1x128x144xf32, #tpu.memory_space<vmem>>
      %dma_start3A_227 = tpu.memref_squeeze %dma_start3A_226 : memref<1x128x144xf32, #tpu.memory_space<vmem>> -> memref<128x144xf32, #tpu.memory_space<vmem>>
      %dma_start3A_228 = arith.constant 0 : i32
      %dma_start3A_229 = tpu.memref_slice %arg7[%dma_start3A_221, %dma_start3A_222, %dma_start3A_228] : memref<2x2x128xi32, #tpu.memory_space<vmem>> -> memref<1x1x128xi32, #tpu.memory_space<vmem>>
      %dma_start3A_230 = tpu.memref_squeeze %dma_start3A_229 : memref<1x1x128xi32, #tpu.memory_space<vmem>> -> memref<128xi32, #tpu.memory_space<vmem>>
      %dma_start3A_231 = arith.constant 0 : i32
      %dma_start3A_232 = arith.constant 0 : i32
      %dma_start3A_233 = tpu.memref_slice %arg2[%dma_start3A_231, %dma_start3A_232] : memref<10240x144xf32, #tpu.memory_space<hbm>> -> memref<10240x144xf32, #tpu.memory_space<hbm>>
      tpu.enqueue_indirect_dma source(%dma_start3A_233 : memref<10240x144xf32, #tpu.memory_space<hbm>>) target(%dma_start3A_227 : memref<128x144xf32, #tpu.memory_space<vmem>>) offsets(%dma_start3A_230 : memref<128xi32, #tpu.memory_space<vmem>>) semaphore(%arg12 : memref<!tpu.dma_semaphore, #tpu.memory_space<semaphore_mem>>)
      %dma_wait3A_234 = arith.constant 1 : i32
      %dma_wait3A_235 = arith.constant 0 : i32
      %dma_wait3A_236 = arith.constant 0 : i32
      %dma_wait3A_237 = arith.constant 0 : i32
      %dma_wait3A_238 = arith.constant 0 : i32
      %dma_wait3A_239 = tpu.memref_slice %arg9[%dma_wait3A_236, %dma_wait3A_237, %dma_wait3A_238] : memref<2x128x144xf32, #tpu.memory_space<vmem>> -> memref<1x128x144xf32, #tpu.memory_space<vmem>>
      %dma_wait3A_240 = tpu.memref_squeeze %dma_wait3A_239 : memref<1x128x144xf32, #tpu.memory_space<vmem>> -> memref<128x144xf32, #tpu.memory_space<vmem>>
      %dma_wait3A_241 = arith.constant 0 : i32
      %dma_wait3A_242 = tpu.memref_slice %arg7[%dma_wait3A_234, %dma_wait3A_235, %dma_wait3A_241] : memref<2x2x128xi32, #tpu.memory_space<vmem>> -> memref<1x1x128xi32, #tpu.memory_space<vmem>>
      %dma_wait3A_243 = tpu.memref_squeeze %dma_wait3A_242 : memref<1x1x128xi32, #tpu.memory_space<vmem>> -> memref<128xi32, #tpu.memory_space<vmem>>
      %dma_wait3A_244 = arith.constant 0 : i32
      %dma_wait3A_245 = arith.constant 0 : i32
      %dma_wait3A_246 = tpu.memref_slice %arg2[%dma_wait3A_244, %dma_wait3A_245] : memref<10240x144xf32, #tpu.memory_space<hbm>> -> memref<10240x144xf32, #tpu.memory_space<hbm>>
      tpu.wait_indirect_dma semaphore(%arg11 : memref<!tpu.dma_semaphore, #tpu.memory_space<semaphore_mem>>) src(%dma_wait3A_246 : memref<10240x144xf32, #tpu.memory_space<hbm>>) dst(%dma_wait3A_240 : memref<128x144xf32, #tpu.memory_space<vmem>>)
      %run_scoped3A_247 = arith.constant 0 : i32
      %run_scoped3A_248 = arith.constant 1 : i32
      %run_scoped3A_249 = arith.constant 0 : i32
      "tpu.region"() ({
        %run_scoped3A_278 = tpu.sem_alloc : memref<!tpu.dma_semaphore, #tpu.memory_space<semaphore_mem>>
        %dma_start3A_279 = arith.constant 0 : i32
        %dma_start3A_280 = arith.constant 0 : i32
        %dma_start3A_281 = tpu.memref_slice %arg9[%run_scoped3A_247, %dma_start3A_279, %dma_start3A_280] : memref<2x128x144xf32, #tpu.memory_space<vmem>> -> memref<1x128x144xf32, #tpu.memory_space<vmem>>
        %dma_start3A_282 = tpu.memref_squeeze %dma_start3A_281 : memref<1x128x144xf32, #tpu.memory_space<vmem>> -> memref<128x144xf32, #tpu.memory_space<vmem>>
        %dma_start3A_283 = arith.constant 0 : i32
        %dma_start3A_284 = tpu.memref_slice %arg8[%run_scoped3A_248, %run_scoped3A_249, %dma_start3A_283] : memref<2x2x128xi32, #tpu.memory_space<vmem>> -> memref<1x1x128xi32, #tpu.memory_space<vmem>>
        %dma_start3A_285 = tpu.memref_squeeze %dma_start3A_284 : memref<1x1x128xi32, #tpu.memory_space<vmem>> -> memref<128xi32, #tpu.memory_space<vmem>>
        %dma_start3A_286 = arith.constant 0 : i32
        %dma_start3A_287 = arith.constant 0 : i32
        %dma_start3A_288 = tpu.memref_slice %arg10[%dma_start3A_286, %dma_start3A_287] : memref<10240x144xf32, #tpu.memory_space<vmem_shared>> -> memref<10240x144xf32, #tpu.memory_space<vmem_shared>>
        tpu.enqueue_indirect_dma source(%dma_start3A_282 : memref<128x144xf32, #tpu.memory_space<vmem>>) target(%dma_start3A_288 : memref<10240x144xf32, #tpu.memory_space<vmem_shared>>) offsets(%dma_start3A_285 : memref<128xi32, #tpu.memory_space<vmem>>) semaphore(%run_scoped3A_278 : memref<!tpu.dma_semaphore, #tpu.memory_space<semaphore_mem>>) {add = true}
        %dma_wait3A_289 = arith.constant 0 : i32
        %dma_wait3A_290 = arith.constant 0 : i32
        %dma_wait3A_291 = tpu.memref_slice %arg9[%run_scoped3A_247, %dma_wait3A_289, %dma_wait3A_290] : memref<2x128x144xf32, #tpu.memory_space<vmem>> -> memref<1x128x144xf32, #tpu.memory_space<vmem>>
        %dma_wait3A_292 = tpu.memref_squeeze %dma_wait3A_291 : memref<1x128x144xf32, #tpu.memory_space<vmem>> -> memref<128x144xf32, #tpu.memory_space<vmem>>
        %dma_wait3A_293 = arith.constant 0 : i32
        %dma_wait3A_294 = tpu.memref_slice %arg8[%run_scoped3A_248, %run_scoped3A_249, %dma_wait3A_293] : memref<2x2x128xi32, #tpu.memory_space<vmem>> -> memref<1x1x128xi32, #tpu.memory_space<vmem>>
        %dma_wait3A_295 = tpu.memref_squeeze %dma_wait3A_294 : memref<1x1x128xi32, #tpu.memory_space<vmem>> -> memref<128xi32, #tpu.memory_space<vmem>>
        %dma_wait3A_296 = arith.constant 0 : i32
        %dma_wait3A_297 = arith.constant 0 : i32
        %dma_wait3A_298 = tpu.memref_slice %arg10[%dma_wait3A_296, %dma_wait3A_297] : memref<10240x144xf32, #tpu.memory_space<vmem_shared>> -> memref<10240x144xf32, #tpu.memory_space<vmem_shared>>
        tpu.wait_indirect_dma semaphore(%run_scoped3A_278 : memref<!tpu.dma_semaphore, #tpu.memory_space<semaphore_mem>>) src(%dma_wait3A_292 : memref<128x144xf32, #tpu.memory_space<vmem>>) dst(%dma_wait3A_298 : memref<10240x144xf32, #tpu.memory_space<vmem_shared>>)
        tpu.yield
      }) : () -> ()
      %add3A_250 = arith.constant 1 : i32
      %add3A_251 = arith.addi %add3A_220, %add3A_250 : i32
      %lt3A_252 = arith.cmpi slt, %add3A_251, %select_n3A_19 : i32
      %convert_element_type3A_253 = arith.extui %lt3A_252 : i1 to i32
      %cond3A_254 = arith.constant 0 : i32
      %cond3A_255 = arith.cmpi ne, %convert_element_type3A_253, %cond3A_254 : i32
      scf.if %cond3A_255 {
        %dma_wait3A_278 = arith.constant 0 : i32
        %dma_wait3A_279 = arith.constant 0 : i32
        %dma_wait3A_280 = arith.constant 0 : i32
        %dma_wait3A_281 = tpu.memref_slice %arg7[%dma_wait3A_278, %dma_wait3A_279, %dma_wait3A_280] : memref<2x2x128xi32, #tpu.memory_space<vmem>> -> memref<1x2x128xi32, #tpu.memory_space<vmem>>
        %dma_wait3A_282 = tpu.memref_squeeze %dma_wait3A_281 : memref<1x2x128xi32, #tpu.memory_space<vmem>> -> memref<2x128xi32, #tpu.memory_space<vmem>>
        %dma_wait3A_283 = arith.constant 0 : i32
        %dma_wait3A_284 = arith.constant 0 : i32
        %dma_wait3A_285 = tpu.memref_slice %arg3[%dma_wait3A_283, %dma_wait3A_284] : memref<2560x128xi32, #tpu.memory_space<hbm>> -> memref<2x128xi32, #tpu.memory_space<hbm>>
        %dma_wait3A_286 = arith.constant 0 : i32
        %dma_wait3A_287 = arith.constant 0 : i32
        %dma_wait3A_288 = tpu.memref_slice %arg7[%dma_wait3A_278, %dma_wait3A_286, %dma_wait3A_287] : memref<2x2x128xi32, #tpu.memory_space<vmem>> -> memref<1x2x128xi32, #tpu.memory_space<vmem>>
        %dma_wait3A_289 = tpu.memref_squeeze %dma_wait3A_288 : memref<1x2x128xi32, #tpu.memory_space<vmem>> -> memref<2x128xi32, #tpu.memory_space<vmem>>
        %dma_wait3A_290 = arith.constant 0 : i32
        %dma_wait3A_291 = arith.constant 0 : i32
        %dma_wait3A_292 = tpu.memref_slice %arg3[%dma_wait3A_290, %dma_wait3A_291] : memref<2560x128xi32, #tpu.memory_space<hbm>> -> memref<2x128xi32, #tpu.memory_space<hbm>>
        tpu.wait_dma2 semaphore(%arg13 : memref<!tpu.dma_semaphore, #tpu.memory_space<semaphore_mem>>) src(%dma_wait3A_292 : memref<2x128xi32, #tpu.memory_space<hbm>>) dst(%dma_wait3A_289 : memref<2x128xi32, #tpu.memory_space<vmem>>)
        %dma_wait3A_293 = arith.constant 0 : i32
        %dma_wait3A_294 = arith.constant 0 : i32
        %dma_wait3A_295 = arith.constant 0 : i32
        %dma_wait3A_296 = tpu.memref_slice %arg8[%dma_wait3A_293, %dma_wait3A_294, %dma_wait3A_295] : memref<2x2x128xi32, #tpu.memory_space<vmem>> -> memref<1x2x128xi32, #tpu.memory_space<vmem>>
        %dma_wait3A_297 = tpu.memref_squeeze %dma_wait3A_296 : memref<1x2x128xi32, #tpu.memory_space<vmem>> -> memref<2x128xi32, #tpu.memory_space<vmem>>
        %dma_wait3A_298 = arith.constant 0 : i32
        %dma_wait3A_299 = arith.constant 0 : i32
        %dma_wait3A_300 = tpu.memref_slice %arg4[%dma_wait3A_298, %dma_wait3A_299] : memref<2560x128xi32, #tpu.memory_space<hbm>> -> memref<2x128xi32, #tpu.memory_space<hbm>>
        %dma_wait3A_301 = arith.constant 0 : i32
        %dma_wait3A_302 = arith.constant 0 : i32
        %dma_wait3A_303 = tpu.memref_slice %arg8[%dma_wait3A_293, %dma_wait3A_301, %dma_wait3A_302] : memref<2x2x128xi32, #tpu.memory_space<vmem>> -> memref<1x2x128xi32, #tpu.memory_space<vmem>>
        %dma_wait3A_304 = tpu.memref_squeeze %dma_wait3A_303 : memref<1x2x128xi32, #tpu.memory_space<vmem>> -> memref<2x128xi32, #tpu.memory_space<vmem>>
        %dma_wait3A_305 = arith.constant 0 : i32
        %dma_wait3A_306 = arith.constant 0 : i32
        %dma_wait3A_307 = tpu.memref_slice %arg4[%dma_wait3A_305, %dma_wait3A_306] : memref<2560x128xi32, #tpu.memory_space<hbm>> -> memref<2x128xi32, #tpu.memory_space<hbm>>
        tpu.wait_dma2 semaphore(%arg13 : memref<!tpu.dma_semaphore, #tpu.memory_space<semaphore_mem>>) src(%dma_wait3A_307 : memref<2x128xi32, #tpu.memory_space<hbm>>) dst(%dma_wait3A_304 : memref<2x128xi32, #tpu.memory_space<vmem>>)
        %dma_start3A_308 = arith.constant 0 : i32
        %dma_start3A_309 = arith.constant 0 : i32
        %dma_start3A_310 = arith.constant 0 : i32
        %dma_start3A_311 = arith.constant 0 : i32
        %dma_start3A_312 = arith.constant 0 : i32
        %dma_start3A_313 = tpu.memref_slice %arg9[%dma_start3A_310, %dma_start3A_311, %dma_start3A_312] : memref<2x128x144xf32, #tpu.memory_space<vmem>> -> memref<1x128x144xf32, #tpu.memory_space<vmem>>
        %dma_start3A_314 = tpu.memref_squeeze %dma_start3A_313 : memref<1x128x144xf32, #tpu.memory_space<vmem>> -> memref<128x144xf32, #tpu.memory_space<vmem>>
        %dma_start3A_315 = arith.constant 0 : i32
        %dma_start3A_316 = tpu.memref_slice %arg7[%dma_start3A_308, %dma_start3A_309, %dma_start3A_315] : memref<2x2x128xi32, #tpu.memory_space<vmem>> -> memref<1x1x128xi32, #tpu.memory_space<vmem>>
        %dma_start3A_317 = tpu.memref_squeeze %dma_start3A_316 : memref<1x1x128xi32, #tpu.memory_space<vmem>> -> memref<128xi32, #tpu.memory_space<vmem>>
        %dma_start3A_318 = arith.constant 0 : i32
        %dma_start3A_319 = arith.constant 0 : i32
        %dma_start3A_320 = tpu.memref_slice %arg2[%dma_start3A_318, %dma_start3A_319] : memref<10240x144xf32, #tpu.memory_space<hbm>> -> memref<10240x144xf32, #tpu.memory_space<hbm>>
        tpu.enqueue_indirect_dma source(%dma_start3A_320 : memref<10240x144xf32, #tpu.memory_space<hbm>>) target(%dma_start3A_314 : memref<128x144xf32, #tpu.memory_space<vmem>>) offsets(%dma_start3A_317 : memref<128xi32, #tpu.memory_space<vmem>>) semaphore(%arg11 : memref<!tpu.dma_semaphore, #tpu.memory_space<semaphore_mem>>)
      } else {
      }
      %dma_wait3A_256 = arith.constant 1 : i32
      %dma_wait3A_257 = arith.constant 1 : i32
      %dma_wait3A_258 = arith.constant 1 : i32
      %dma_wait3A_259 = arith.constant 0 : i32
      %dma_wait3A_260 = arith.constant 0 : i32
      %dma_wait3A_261 = tpu.memref_slice %arg9[%dma_wait3A_258, %dma_wait3A_259, %dma_wait3A_260] : memref<2x128x144xf32, #tpu.memory_space<vmem>> -> memref<1x128x144xf32, #tpu.memory_space<vmem>>
      %dma_wait3A_262 = tpu.memref_squeeze %dma_wait3A_261 : memref<1x128x144xf32, #tpu.memory_space<vmem>> -> memref<128x144xf32, #tpu.memory_space<vmem>>
      %dma_wait3A_263 = arith.constant 0 : i32
      %dma_wait3A_264 = tpu.memref_slice %arg7[%dma_wait3A_256, %dma_wait3A_257, %dma_wait3A_263] : memref<2x2x128xi32, #tpu.memory_space<vmem>> -> memref<1x1x128xi32, #tpu.memory_space<vmem>>
      %dma_wait3A_265 = tpu.memref_squeeze %dma_wait3A_264 : memref<1x1x128xi32, #tpu.memory_space<vmem>> -> memref<128xi32, #tpu.memory_space<vmem>>
      %dma_wait3A_266 = arith.constant 0 : i32
      %dma_wait3A_267 = arith.constant 0 : i32
      %dma_wait3A_268 = tpu.memref_slice %arg2[%dma_wait3A_266, %dma_wait3A_267] : memref<10240x144xf32, #tpu.memory_space<hbm>> -> memref<10240x144xf32, #tpu.memory_space<hbm>>
      tpu.wait_indirect_dma semaphore(%arg12 : memref<!tpu.dma_semaphore, #tpu.memory_space<semaphore_mem>>) src(%dma_wait3A_268 : memref<10240x144xf32, #tpu.memory_space<hbm>>) dst(%dma_wait3A_262 : memref<128x144xf32, #tpu.memory_space<vmem>>)
      %run_scoped3A_269 = arith.constant 1 : i32
      %run_scoped3A_270 = arith.constant 1 : i32
      %run_scoped3A_271 = arith.constant 1 : i32
      "tpu.region"() ({
        %run_scoped3A_278 = tpu.sem_alloc : memref<!tpu.dma_semaphore, #tpu.memory_space<semaphore_mem>>
        %dma_start3A_279 = arith.constant 0 : i32
        %dma_start3A_280 = arith.constant 0 : i32
        %dma_start3A_281 = tpu.memref_slice %arg9[%run_scoped3A_269, %dma_start3A_279, %dma_start3A_280] : memref<2x128x144xf32, #tpu.memory_space<vmem>> -> memref<1x128x144xf32, #tpu.memory_space<vmem>>
        %dma_start3A_282 = tpu.memref_squeeze %dma_start3A_281 : memref<1x128x144xf32, #tpu.memory_space<vmem>> -> memref<128x144xf32, #tpu.memory_space<vmem>>
        %dma_start3A_283 = arith.constant 0 : i32
        %dma_start3A_284 = tpu.memref_slice %arg8[%run_scoped3A_270, %run_scoped3A_271, %dma_start3A_283] : memref<2x2x128xi32, #tpu.memory_space<vmem>> -> memref<1x1x128xi32, #tpu.memory_space<vmem>>
        %dma_start3A_285 = tpu.memref_squeeze %dma_start3A_284 : memref<1x1x128xi32, #tpu.memory_space<vmem>> -> memref<128xi32, #tpu.memory_space<vmem>>
        %dma_start3A_286 = arith.constant 0 : i32
        %dma_start3A_287 = arith.constant 0 : i32
        %dma_start3A_288 = tpu.memref_slice %arg10[%dma_start3A_286, %dma_start3A_287] : memref<10240x144xf32, #tpu.memory_space<vmem_shared>> -> memref<10240x144xf32, #tpu.memory_space<vmem_shared>>
        tpu.enqueue_indirect_dma source(%dma_start3A_282 : memref<128x144xf32, #tpu.memory_space<vmem>>) target(%dma_start3A_288 : memref<10240x144xf32, #tpu.memory_space<vmem_shared>>) offsets(%dma_start3A_285 : memref<128xi32, #tpu.memory_space<vmem>>) semaphore(%run_scoped3A_278 : memref<!tpu.dma_semaphore, #tpu.memory_space<semaphore_mem>>) {add = true}
        %dma_wait3A_289 = arith.constant 0 : i32
        %dma_wait3A_290 = arith.constant 0 : i32
        %dma_wait3A_291 = tpu.memref_slice %arg9[%run_scoped3A_269, %dma_wait3A_289, %dma_wait3A_290] : memref<2x128x144xf32, #tpu.memory_space<vmem>> -> memref<1x128x144xf32, #tpu.memory_space<vmem>>
        %dma_wait3A_292 = tpu.memref_squeeze %dma_wait3A_291 : memref<1x128x144xf32, #tpu.memory_space<vmem>> -> memref<128x144xf32, #tpu.memory_space<vmem>>
        %dma_wait3A_293 = arith.constant 0 : i32
        %dma_wait3A_294 = tpu.memref_slice %arg8[%run_scoped3A_270, %run_scoped3A_271, %dma_wait3A_293] : memref<2x2x128xi32, #tpu.memory_space<vmem>> -> memref<1x1x128xi32, #tpu.memory_space<vmem>>
        %dma_wait3A_295 = tpu.memref_squeeze %dma_wait3A_294 : memref<1x1x128xi32, #tpu.memory_space<vmem>> -> memref<128xi32, #tpu.memory_space<vmem>>
        %dma_wait3A_296 = arith.constant 0 : i32
        %dma_wait3A_297 = arith.constant 0 : i32
        %dma_wait3A_298 = tpu.memref_slice %arg10[%dma_wait3A_296, %dma_wait3A_297] : memref<10240x144xf32, #tpu.memory_space<vmem_shared>> -> memref<10240x144xf32, #tpu.memory_space<vmem_shared>>
        tpu.wait_indirect_dma semaphore(%run_scoped3A_278 : memref<!tpu.dma_semaphore, #tpu.memory_space<semaphore_mem>>) src(%dma_wait3A_292 : memref<128x144xf32, #tpu.memory_space<vmem>>) dst(%dma_wait3A_298 : memref<10240x144xf32, #tpu.memory_space<vmem_shared>>)
        tpu.yield
      }) : () -> ()
      %add3A_272 = arith.constant 2 : i32
      %add3A_273 = arith.addi %add3A_220, %add3A_272 : i32
      %lt3A_274 = arith.cmpi slt, %add3A_273, %select_n3A_19 : i32
      %convert_element_type3A_275 = arith.extui %lt3A_274 : i1 to i32
      %cond3A_276 = arith.constant 0 : i32
      %cond3A_277 = arith.cmpi ne, %convert_element_type3A_275, %cond3A_276 : i32
      scf.if %cond3A_277 {
        %add3A_278 = arith.constant 2 : i32
        %add3A_279 = arith.addi %add3A_220, %add3A_278 : i32
        %mul3A_280 = arith.constant 2 : i32
        %mul3A_281 = arith.muli %add3A_279, %mul3A_280 : i32
        %add3A_282 = arith.addi %add3A, %mul3A_281 : i32
        %dma_start3A_283 = arith.constant 1 : i32
        %dma_start3A_284 = arith.constant 0 : i32
        %dma_start3A_285 = arith.constant 0 : i32
        %dma_start3A_286 = tpu.memref_slice %arg7[%dma_start3A_283, %dma_start3A_284, %dma_start3A_285] : memref<2x2x128xi32, #tpu.memory_space<vmem>> -> memref<1x2x128xi32, #tpu.memory_space<vmem>>
        %dma_start3A_287 = tpu.memref_squeeze %dma_start3A_286 : memref<1x2x128xi32, #tpu.memory_space<vmem>> -> memref<2x128xi32, #tpu.memory_space<vmem>>
        %dma_start3A_288 = arith.constant 0 : i32
        %dma_start3A_289 = tpu.memref_slice %arg3[%add3A_282, %dma_start3A_288] : memref<2560x128xi32, #tpu.memory_space<hbm>> -> memref<2x128xi32, #tpu.memory_space<hbm>>
        %dma_start3A_290 = arith.constant 0 : i32
        %dma_start3A_291 = arith.constant 0 : i32
        %dma_start3A_292 = tpu.memref_slice %arg7[%dma_start3A_283, %dma_start3A_290, %dma_start3A_291] : memref<2x2x128xi32, #tpu.memory_space<vmem>> -> memref<1x2x128xi32, #tpu.memory_space<vmem>>
        %dma_start3A_293 = tpu.memref_squeeze %dma_start3A_292 : memref<1x2x128xi32, #tpu.memory_space<vmem>> -> memref<2x128xi32, #tpu.memory_space<vmem>>
        %dma_start3A_294 = arith.constant 0 : i32
        %dma_start3A_295 = tpu.memref_slice %arg3[%add3A_282, %dma_start3A_294] : memref<2560x128xi32, #tpu.memory_space<hbm>> -> memref<2x128xi32, #tpu.memory_space<hbm>>
        tpu.enqueue_dma source(%dma_start3A_295 : memref<2x128xi32, #tpu.memory_space<hbm>>) target(%dma_start3A_293 : memref<2x128xi32, #tpu.memory_space<vmem>>) target_semaphore(%arg14 : memref<!tpu.dma_semaphore, #tpu.memory_space<semaphore_mem>>)
        %mul3A_296 = arith.constant 2 : i32
        %mul3A_297 = arith.muli %add3A_279, %mul3A_296 : i32
        %add3A_298 = arith.addi %add3A, %mul3A_297 : i32
        %dma_start3A_299 = arith.constant 1 : i32
        %dma_start3A_300 = arith.constant 0 : i32
        %dma_start3A_301 = arith.constant 0 : i32
        %dma_start3A_302 = tpu.memref_slice %arg8[%dma_start3A_299, %dma_start3A_300, %dma_start3A_301] : memref<2x2x128xi32, #tpu.memory_space<vmem>> -> memref<1x2x128xi32, #tpu.memory_space<vmem>>
        %dma_start3A_303 = tpu.memref_squeeze %dma_start3A_302 : memref<1x2x128xi32, #tpu.memory_space<vmem>> -> memref<2x128xi32, #tpu.memory_space<vmem>>
        %dma_start3A_304 = arith.constant 0 : i32
        %dma_start3A_305 = tpu.memref_slice %arg4[%add3A_298, %dma_start3A_304] : memref<2560x128xi32, #tpu.memory_space<hbm>> -> memref<2x128xi32, #tpu.memory_space<hbm>>
        %dma_start3A_306 = arith.constant 0 : i32
        %dma_start3A_307 = arith.constant 0 : i32
        %dma_start3A_308 = tpu.memref_slice %arg8[%dma_start3A_299, %dma_start3A_306, %dma_start3A_307] : memref<2x2x128xi32, #tpu.memory_space<vmem>> -> memref<1x2x128xi32, #tpu.memory_space<vmem>>
        %dma_start3A_309 = tpu.memref_squeeze %dma_start3A_308 : memref<1x2x128xi32, #tpu.memory_space<vmem>> -> memref<2x128xi32, #tpu.memory_space<vmem>>
        %dma_start3A_310 = arith.constant 0 : i32
        %dma_start3A_311 = tpu.memref_slice %arg4[%add3A_298, %dma_start3A_310] : memref<2560x128xi32, #tpu.memory_space<hbm>> -> memref<2x128xi32, #tpu.memory_space<hbm>>
        tpu.enqueue_dma source(%dma_start3A_311 : memref<2x128xi32, #tpu.memory_space<hbm>>) target(%dma_start3A_309 : memref<2x128xi32, #tpu.memory_space<vmem>>) target_semaphore(%arg14 : memref<!tpu.dma_semaphore, #tpu.memory_space<semaphore_mem>>)
      } else {
      }
    }
    %barrier3A_158 = arith.constant 0 : index
    tpu.barrier barrier_id(%barrier3A_158)
    "tpu.region"() ({
      %run_scoped3A = tpu.sem_alloc : memref<!tpu.dma_semaphore, #tpu.memory_space<semaphore_mem>>
      %dma_start3A_159 = arith.constant 0 : i32
      %dma_start3A_160 = tpu.memref_slice %arg6[%arg0, %mul3A_24, %dma_start3A_159] : memref<2x10240x144xf32, #tpu.memory_space<hbm>> -> memref<1x640x144xf32, #tpu.memory_space<hbm>>
      %dma_start3A_161 = tpu.memref_squeeze %dma_start3A_160 : memref<1x640x144xf32, #tpu.memory_space<hbm>> -> memref<640x144xf32, #tpu.memory_space<hbm>>
      %dma_start3A_162 = arith.constant 0 : i32
      %dma_start3A_163 = tpu.memref_slice %arg10[%mul3A_24, %dma_start3A_162] : memref<10240x144xf32, #tpu.memory_space<vmem_shared>> -> memref<640x144xf32, #tpu.memory_space<vmem_shared>>
      tpu.enqueue_dma source(%dma_start3A_163 : memref<640x144xf32, #tpu.memory_space<vmem_shared>>) target(%dma_start3A_161 : memref<640x144xf32, #tpu.memory_space<hbm>>) target_semaphore(%run_scoped3A : memref<!tpu.dma_semaphore, #tpu.memory_space<semaphore_mem>>)
      %dma_wait3A_164 = arith.constant 0 : i32
      %dma_wait3A_165 = tpu.memref_slice %arg6[%arg0, %mul3A_24, %dma_wait3A_164] : memref<2x10240x144xf32, #tpu.memory_space<hbm>> -> memref<1x640x144xf32, #tpu.memory_space<hbm>>
      %dma_wait3A_166 = tpu.memref_squeeze %dma_wait3A_165 : memref<1x640x144xf32, #tpu.memory_space<hbm>> -> memref<640x144xf32, #tpu.memory_space<hbm>>
      %dma_wait3A_167 = arith.constant 0 : i32
      %dma_wait3A_168 = tpu.memref_slice %arg10[%mul3A_24, %dma_wait3A_167] : memref<10240x144xf32, #tpu.memory_space<vmem_shared>> -> memref<640x144xf32, #tpu.memory_space<vmem_shared>>
      tpu.wait_dma2 semaphore(%run_scoped3A : memref<!tpu.dma_semaphore, #tpu.memory_space<semaphore_mem>>) src(%dma_wait3A_168 : memref<640x144xf32, #tpu.memory_space<vmem_shared>>) dst(%dma_wait3A_166 : memref<640x144xf32, #tpu.memory_space<hbm>>)
      tpu.yield
    }) : () -> ()
    return
  }
}

module attributes {stable_mosaic.version = 14 : i64} {
  func.func @_tc_kernel(%arg0: i32, %arg1: memref<400x128xf32, #tpu.memory_space<vmem>>, %arg2: memref<2x400x144xf32, #tpu.memory_space<vmem>>, %arg3: memref<128x128xf32, #tpu.memory_space<vmem>>, %arg4: memref<1x128xf32, #tpu.memory_space<vmem>>, %arg5: memref<1x128xf32, #tpu.memory_space<vmem>>, %arg6: memref<400x128xf32, #tpu.memory_space<vmem>>) attributes {dimension_semantics = [#tpu.dimension_semantics<arbitrary>], iteration_bounds = array<i64: 25>, scalar_prefetch = 0 : i64, scratch_operands = 0 : i64, tpu.core_type = #tpu.core_type<tc>, window_params = [{transform_indices = @transform_0, window_bounds = array<i64: 400, 128>}, {transform_indices = @transform_1, window_bounds = array<i64: 2, 400, 144>}, {pipeline_mode = #tpu.pipeline_mode<synchronous>, transform_indices = @transform_2, window_bounds = array<i64: 128, 128>}, {pipeline_mode = #tpu.pipeline_mode<synchronous>, transform_indices = @transform_3, window_bounds = array<i64: 1, 128>}, {pipeline_mode = #tpu.pipeline_mode<synchronous>, transform_indices = @transform_4, window_bounds = array<i64: 1, 128>}, {transform_indices = @transform_5, window_bounds = array<i64: 400, 128>}]} {
    %get3A = arith.constant 0 : index
    %get3A_0 = arith.constant 0 : index
    %get3A_1 = arith.constant 0 : index
    %get3A_2 = vector.load %arg2[%get3A, %get3A_0, %get3A_1] : memref<2x400x144xf32, #tpu.memory_space<vmem>>, vector<1x400x144xf32>
    %get3A_3 = vector.shape_cast %get3A_2 : vector<1x400x144xf32> to vector<400x144xf32>
    %get3A_4 = arith.constant 1 : index
    %get3A_5 = arith.constant 0 : index
    %get3A_6 = arith.constant 0 : index
    %get3A_7 = vector.load %arg2[%get3A_4, %get3A_5, %get3A_6] : memref<2x400x144xf32, #tpu.memory_space<vmem>>, vector<1x400x144xf32>
    %get3A_8 = vector.shape_cast %get3A_7 : vector<1x400x144xf32> to vector<400x144xf32>
    %add3A = arith.addf %get3A_3, %get3A_8 : vector<400x144xf32>
    %get3A_9 = arith.constant 0 : index
    %get3A_10 = arith.constant 0 : index
    %get3A_11 = vector.load %arg1[%get3A_9, %get3A_10] : memref<400x128xf32, #tpu.memory_space<vmem>>, vector<400x128xf32>
    %slice3A = vector.extract_strided_slice %add3A {offsets = [0, 0], sizes = [400, 128], strides = [1, 1]} : vector<400x144xf32> to vector<400x128xf32>
    %add3A_12 = arith.addf %get3A_11, %slice3A : vector<400x128xf32>
    %slice3A_13 = vector.extract_strided_slice %add3A {offsets = [0, 128], sizes = [400, 1], strides = [1, 1]} : vector<400x144xf32> to vector<400x1xf32>
    %add3A_14 = arith.constant 1.000000e+00 : f32
    %add3A_15 = vector.broadcast %add3A_14 : f32 to vector<400x1xf32>
    %add3A_16 = arith.addf %slice3A_13, %add3A_15 : vector<400x1xf32>
    %div3A = vector.broadcast %add3A_16 : vector<400x1xf32> to vector<400x128xf32>
    %div3A_17 = arith.divf %add3A_12, %div3A : vector<400x128xf32>
    %get3A_18 = arith.constant 0 : index
    %get3A_19 = arith.constant 0 : index
    %get3A_20 = vector.load %arg3[%get3A_18, %get3A_19] : memref<128x128xf32, #tpu.memory_space<vmem>>, vector<128x128xf32>
    %dot_general3A = arith.constant dense<0.000000e+00> : vector<400x128xf32>
    %dot_general3A_21 = tpu.matmul %div3A_17, %get3A_20, %dot_general3A {dimension_numbers = #tpu.dot_dimension_numbers<[1], [0], [0], [1], [0, 0, 1, 1], [], []>, transpose_lhs_hint = false} : vector<400x128xf32>, vector<128x128xf32>, vector<400x128xf32> -> vector<400x128xf32>
    %get3A_22 = arith.constant 0 : index
    %get3A_23 = arith.constant 0 : index
    %get3A_24 = vector.load %arg4[%get3A_22, %get3A_23] : memref<1x128xf32, #tpu.memory_space<vmem>>, vector<1x128xf32>
    %add3A_25 = vector.broadcast %get3A_24 : vector<1x128xf32> to vector<400x128xf32>
    %add3A_26 = arith.addf %dot_general3A_21, %add3A_25 : vector<400x128xf32>
    %ge3A = arith.constant 0.000000e+00 : f32
    %ge3A_27 = vector.broadcast %ge3A : f32 to vector<400x128xf32>
    %ge3A_28 = arith.cmpf oge, %add3A_26, %ge3A_27 : vector<400x128xf32>
    %get3A_29 = arith.constant 0 : index
    %get3A_30 = arith.constant 0 : index
    %get3A_31 = vector.load %arg5[%get3A_29, %get3A_30] : memref<1x128xf32, #tpu.memory_space<vmem>>, vector<1x128xf32>
    %mul3A = vector.broadcast %get3A_31 : vector<1x128xf32> to vector<400x128xf32>
    %mul3A_32 = arith.mulf %mul3A, %add3A_26 : vector<400x128xf32>
    %select_n3A = arith.select %ge3A_28, %add3A_26, %mul3A_32 : vector<400x128xi1>, vector<400x128xf32>
    %swap3A = arith.constant 0 : index
    %swap3A_33 = arith.constant 0 : index
    %swap3A_34 = vector.load %arg6[%swap3A, %swap3A_33] : memref<400x128xf32, #tpu.memory_space<vmem>>, vector<400x128xf32>
    tpu.vector_store %arg6[%swap3A, %swap3A_33], %select_n3A {strides = array<i32>} : memref<400x128xf32, #tpu.memory_space<vmem>>, vector<400x128xf32>,
    return
  }
  func.func @transform_0(%arg0: i32) -> (i32, i32) {
    %c0_i32 = arith.constant 0 : i32
    %c0_i32_0 = arith.constant 0 : i32
    return %arg0, %c0_i32 : i32, i32
  }
  func.func @transform_1(%arg0: i32) -> (i32, i32, i32) {
    %c0_i32 = arith.constant 0 : i32
    %c0_i32_0 = arith.constant 0 : i32
    %c0_i32_1 = arith.constant 0 : i32
    return %c0_i32, %arg0, %c0_i32_0 : i32, i32, i32
  }
  func.func @transform_2(%arg0: i32) -> (i32, i32) {
    %c0_i32 = arith.constant 0 : i32
    %c0_i32_0 = arith.constant 0 : i32
    %c0_i32_1 = arith.constant 0 : i32
    return %c0_i32, %c0_i32_0 : i32, i32
  }
  func.func @transform_3(%arg0: i32) -> (i32, i32) {
    %c0_i32 = arith.constant 0 : i32
    %c0_i32_0 = arith.constant 0 : i32
    %c0_i32_1 = arith.constant 0 : i32
    return %c0_i32, %c0_i32_0 : i32, i32
  }
  func.func @transform_4(%arg0: i32) -> (i32, i32) {
    %c0_i32 = arith.constant 0 : i32
    %c0_i32_0 = arith.constant 0 : i32
    %c0_i32_1 = arith.constant 0 : i32
    return %c0_i32, %c0_i32_0 : i32, i32
  }
  func.func @transform_5(%arg0: i32) -> (i32, i32) {
    %c0_i32 = arith.constant 0 : i32
    %c0_i32_0 = arith.constant 0 : i32
    return %arg0, %c0_i32 : i32, i32
  }
}

</mosaic_0001>

<sc_bundles>
// kernel: kernel.4.cloned.1.call-start
scs
__scs_entry_jumppad:
0x0: {  	(pc) =	sbr.rel $0x88, $3  }
0x1: {  	(tag) =	ssettag $0x0;
	lr =	simm.s32 $0x1  }
0x2: {  	[smem:$0x3F9C] =	sst lr;
	_ =	strace $0xD0000000  }
0x3: {  	_ = 	snop  }
0x4: {  	_ = 	snop  }
0x5: {  	_ = 	snop  }
0x6: {  	_ = 	snop  }
0x7: {  	_ = 	snop  }
__scs_overlays_trampoline_lowered:
0x8: {  	[smem:$0x3FAB] =	sst s0  }
0x9: {  	[smem:$0x3FAC] =	sst s1  }
0xa: {  	[smem:$0x3FAD] =	sst s2  }
0xb: {  	[smem:$0x3FAE] =	sst s3  }
0xc: {  	[smem:$0x3FAF] =	sst s4  }
0xd: {  	[smem:$0x3FB0] =	sst s5  }
0xe: {  	[smem:$0x3FB1] =	sst s6  }
0xf: {  	[smem:$0x3FB2] =	sst s7  }
0x10: {  	[smem:$0x3FB3] =	sst s8  }
0x11: {  	[smem:$0x3FB4] =	sst s9;
	s0 =	simm.s32 @!p0 $0x0  }
0x12: {  	s1 =	sld [smem:$0x3F9A];
	s0 =	simm.s32 @p0 $0x1  }
0x13: {  	[smem:$0x3FB5] =	sst s0;
	s0 =	simm.s32 @!p1 $0x0  }
0x14: {  	s2 =	sld [smem:$0x3F99];
	s0 =	simm.s32 @p1 $0x1  }
0x15: {  	[smem:$0x3FB6] =	sst s0;
	s0 =	simm.s32 @!p2 $0x0  }
0x16: {  	s3 =	sld [smem:$0x3FDB];
	s0 =	simm.s32 @p2 $0x1  }
0x17: {  	s4 =	simm.s32 $0x1BF5;
	[smem:$0x3FB8] =	sst s0  }
0x18: {  	s0 =	sld [smem:$0x3F9B];
	_ =	swait.ge [sflag:s4], $0x0  }
0x19: {  	s7 =	sld [smem:$0x3F9C]  }
0x1a: {  	s8 =	sadd.s32 $0xFFFFE003, lr  }
0x1b: {  	s9 =	sadd.s32 $0xFFFFFEF7, lr;
	s5 =	simm.s32 $0xFFFFFFFF;
	p2 =	slt.u32 s8, $0xFFFFF086  }
0x1c: {  	p1 =	slt.u32 s9, $0xF7A;
	s5 =	simm.s32 @!p2 $0x0  }
0x1d: {  	s5 =	simm.s32 @p1 $0x1;
	p0 =	seq.s32 s7, s2  }
0x1e: {  	s7 =	smul.u32 @!p0 $0xF7A, s2;
	p2 =	seq.s32 @!p0 s5, $0x0  }
0x1f: {  	s9 =	smul.u32 $0xF7A, s1;
	s8 =	simm.s32 @!p0 $0x1BF5;
	p2 =	por !p2, p0  }
0x20: {  	[sflag:s8] =	ssyncset.s32 @!p0 $0xFFFFF086;
	s6 =	sadd.s32 @!p0 s3, s7;
	s7 =	simm.s32 @!p0 $0x108  }
0x21: {  	s3 =	sadd.s32 s3, s9;
	s6 =	sadd.s32 @!p0 $0x88, s6;
	s7 =	simm.s32 @p2 $0x1082  }
0x22: {  	[simem:s7], [sflag:s8] =	dma.local @!p0 [hbm:s6], $0xF7A  }
0x23: {  	s9 =	sor.u32 $0xD0000000, s2;
	s6 =	simm.s32 $0x108;
	_ =	swait.ge @!p0 [sflag:s8], $0x0  }
0x24: {  	s3 =	sadd.s32 $0x88, s3;
	s6 =	simm.s32 @!p1 $0x1082;
	[sflag:s4] =	ssyncset.s32 $0xFFFFF086  }
0x25: {  	[simem:s6], [sflag:s4] =	dma.local [hbm:s3], $0xF7A  }
0x26: {  	[smem:$0x3F9C] =	sst s1;
	(tag) =	ssettag s2;
	_ =	strace s9  }
0x27: {  	s1 =	sld [smem:$0x3FAC]  }
0x28: {  	s2 =	sld [smem:$0x3FAD]  }
0x29: {  	s4 =	sld [smem:$0x3FAF]  }
0x2a: {  	p0 =	seq.s32 s5, $0x0;
	s5 =	sld [smem:$0x3FB0]  }
0x2b: {  	s6 =	sld [smem:$0x3FB1]  }
0x2c: {  	s7 =	sld [smem:$0x3FB2]  }
0x2d: {  	s3 =	simm.s32 $0x108;
	s8 =	sld [smem:$0x3FB3]  }
0x2e: {  	s3 =	simm.s32 @!p0 $0x1082;
	s9 =	sld [smem:$0x3FB4]  }
0x2f: {  	lr =	sadd.s32 s0, s3;
	s0 =	sld [smem:$0x3FAB]  }
0x30: {  	s3 =	sld [smem:$0x3FAE]  }
0x31: {  	[smem:$0x3FB7] =	sst s10  }
0x32: {  	s10 =	sld [smem:$0x3FB5];
	_ =	sdelay $0x3  }
0x33: {  	p0 =	seq.s32 s10, $0x1;
	s10 =	sld [smem:$0x3FB7];
	_ =	sdelay $0x3  }
0x34: {  	[smem:$0x3FB7] =	sst s10  }
0x35: {  	s10 =	sld [smem:$0x3FB6];
	_ =	sdelay $0x3  }
0x36: {  	p1 =	seq.s32 s10, $0x1;
	s10 =	sld [smem:$0x3FB7];
	_ =	sdelay $0x3  }
0x37: {  	[smem:$0x3FB7] =	sst s10  }
0x38: {  	s10 =	sld [smem:$0x3FB8]  }
0x39: {  	_ = 	snop;
	(pc) =	sbr.ind lr, $3  }
0x3a: {  	_ = 	snop  }
0x3b: {  	_ = 	snop  }
0x3c: {  	p2 =	seq.s32 s10, $0x1;
	s10 =	sld [smem:$0x3FB7]  }
0x3d: {  	_ =	shalt  }
0x3e: {  	_ =	shalt  }
0x3f: {  	_ =	shalt  }
0x40: {  	_ =	shalt  }
0x41: {  	_ =	shalt  }
0x42: {  	_ =	shalt  }
0x43: {  	_ =	shalt  }
0x44: {  	_ =	shalt  }
0x45: {  	_ =	shalt  }
0x46: {  	_ =	shalt  }
0x47: {  	_ =	shalt  }
0x48: {  	_ =	shalt  }
0x49: {  	_ =	shalt  }
0x4a: {  	_ =	shalt  }
0x4b: {  	_ =	shalt  }
0x4c: {  	_ =	shalt  }
0x4d: {  	_ =	shalt  }
0x4e: {  	_ =	shalt  }
0x4f: {  	_ =	shalt  }
0x50: {  	_ =	shalt  }
0x51: {  	_ =	shalt  }
0x52: {  	_ =	shalt  }
0x53: {  	_ =	shalt  }
0x54: {  	_ =	shalt  }
0x55: {  	_ =	shalt  }
0x56: {  	_ =	shalt  }
0x57: {  	_ =	shalt  }
0x58: {  	_ =	shalt  }
0x59: {  	_ =	shalt  }
0x5a: {  	_ =	shalt  }
0x5b: {  	_ =	shalt  }
0x5c: {  	_ =	shalt  }
0x5d: {  	_ =	shalt  }
0x5e: {  	_ =	shalt  }
0x5f: {  	_ =	shalt  }
0x60: {  	_ =	shalt  }
0x61: {  	_ =	shalt  }
0x62: {  	_ =	shalt  }
0x63: {  	_ =	shalt  }
0x64: {  	_ =	shalt  }
0x65: {  	_ =	shalt  }
0x66: {  	_ =	shalt  }
0x67: {  	_ =	shalt  }
0x68: {  	_ =	shalt  }
0x69: {  	_ =	shalt  }
0x6a: {  	_ =	shalt  }
0x6b: {  	_ =	shalt  }
0x6c: {  	_ =	shalt  }
0x6d: {  	_ =	shalt  }
0x6e: {  	_ =	shalt  }
0x6f: {  	_ =	shalt  }
0x70: {  	_ =	shalt  }
0x71: {  	_ =	shalt  }
0x72: {  	_ =	shalt  }
0x73: {  	_ =	shalt  }
0x74: {  	_ =	shalt  }
0x75: {  	_ =	shalt  }
0x76: {  	_ =	shalt  }
0x77: {  	_ =	shalt  }
0x78: {  	_ =	shalt  }
0x79: {  	_ =	shalt  }
0x7a: {  	_ =	shalt  }
0x7b: {  	_ =	shalt  }
0x7c: {  	_ =	shalt  }
0x7d: {  	_ =	shalt  }
0x7e: {  	_ =	shalt  }
0x7f: {  	_ =	shalt  }
0x80: {  	_ =	shalt  }
0x81: {  	_ =	shalt  }
0x82: {  	_ =	shalt  }
0x83: {  	_ =	shalt  }
0x84: {  	_ =	shalt  }
0x85: {  	_ =	shalt  }
0x86: {  	_ =	shalt  }
0x87: {  	_ =	shalt  }
.Lfunc_end0:
.L_simem_size_0:
called_computation_lowered:
.L_overlay_start_0:
0x88: {  	s2 =	sld [smem:$0x3FD9]  }
0x89: {  	s3 =	sld [smem:$0x3FFE];
	_ =	sdelay $0x1  }
0x8a: {  	s1 =	srdreg.scid  }
0x8b: {  	s0 =	sand.u32 $0x1, s1  }
0x8c: {  	s17 =	sshll.u32 s0, $0xA;
	s2 =	sadd.s32 s3, s2  }
0x8d: {  	s2 =	sadd.s32 s2, s17  }
0x8e: {  	[smem:$0x3FC3] =	sst s2  }
0x8f: {  	_ = 	snop  }
0x90: {  	s2 =	sld [smem:$0x3FD0];
	(tm) =	ssettm $0x1  }
0x91: {  	s18 =	sld [smem:$0x3FFB];
	_ =	sdelay $0x3  }
0x92: {  	_ =	strace s18  }
0x93: {  	s3 =	sld [smem:$0x3FFC];
	_ =	sdelay $0x3  }
0x94: {  	_ =	strace s3  }
0x95: {  	s3 =	sld [smem:$0x3FFD];
	_ =	sdelay $0x3  }
0x96: {  	_ =	strace s3  }
0x97: {  	_ =	strace $0x8FFFFFFF  }
0x98: {  	s19 =	sld [smem:$0x3FDB];
	_ =	sdelay $0x1  }
0x99: {  	s4 =	simm.s32 $_scs_section_size  }
0x9a: {  	s5 =	simm.s32 $_size__tile_overlayer_lowered;
	s6 =	simm.s32 $_tile_overlayer_lowered  }
0x9b: {  	s22 =	simm.s32 $0x1BFF;
	s21 =	sshll.u32 s6, $0x1;
	s3 =	sadd.s32 s4, s19  }
0x9c: {  	s7 =	simm.s32 $0x0;
	s20 =	sshll.u32 s5, $0x1;
	s5 =	sadd.s32 s21, s3  }
0x9d: {  	[timem:s7], [sflag:s22] =	dma.local [hbm:s5], s20  }
0x9e: {  	_ =	swait.ge [sflag:s22], s20  }
0x9f: {  	s4 =	ssub.s32 $0x0, s20;
	[sflag:s22] =	ssyncset.done $0x0  }
0xa0: {  	[sflag:s22] =	ssyncadd.s32 s4;
	_ =	sdelay $0x1  }
0xa1: {  	s23 =	simm.s32 $0x1B8B  }
0xa2: {  	_ =	swait.ge [sflag:s23], $0x1  }
0xa3: {  	[sflag:s23] =	ssyncset.done $0x0  }
0xa4: {  	s25 =	simm.s32 $0x1B8E;
	s24 =	sld [smem:$0x3FFE];
	[sflag:s23] =	ssyncadd.s32 $0xFFFFFFFF  }
0xa5: {  	s26 =	simm.s32 $execute0_lowered;
	[smem:$0x3FD2] =	sst s25  }
0xa6: {  	s5 =	sshll.u32 s26, $0x1;
	_ =	strace $0x80000046;
	[dreg:$0x1] =	wrdreg $0xFFFFFFFF  }
0xa7: {  	s28 =	simm.s32 $_size_execute0_lowered;
	s3 =	sadd.s32 s3, s5;
	[dreg:$0x0] =	wrdreg $0x0  }
0xa8: {  	s5 =	sshll.u32 s28, $0x1;
	[dreg:$0x2] =	wrdreg s3  }
0xa9: {  	[dreg:$0x3] =	wrdreg s5  }
0xaa: {  	[dreg:$0x4] =	wrdreg $0xC0  }
0xab: {  	_ =	task [dreg:s7], $0x5FFFF  }
0xac: {  	[dreg:$0x1] =	wrdreg $0xFFFFFFFF  }
0xad: {  	[dreg:$0x0] =	wrdreg $0x60  }
0xae: {  	[dreg:$0x2] =	wrdreg s24  }
0xaf: {  	[dreg:$0x3] =	wrdreg s2  }
0xb0: {  	[dreg:$0x4] =	wrdreg $0x94000  }
0xb1: {  	[dreg:$0x5] =	wrdreg $0x9  }
0xb2: {  	_ =	task.clear_ibuf [dreg:s7], $0x6FFFF;
	_ =	strace $0x90000046  }
0xb3: {  	s29 =	simm.s32 $0x9;
	_ =	strace $0x80000048  }
0xb4: {  	_ =	swait.ge [sflag:s29], $0x1  }
0xb5: {  	[sflag:s29] =	ssyncadd.s32 $0xFFFFFFFF  }
0xb6: {  	_ =	strace $0x90000048  }
0xb7: {  	_ =	sfence  }
0xb8: {  	s30 =	sld [smem:$0x0];
	_ =	sdelay $0x2  }
0xb9: {  	s31 =	sshll.u32 s1, $0xD;
	s1 =	sshrl.u32 s1, $0x2  }
0xba: {  	s3 =	sand.u32 $0x4000, s31;
	s1 =	sadd.s32 s1, s30  }
0xbb: {  	s0 =	sor.u32 s3, s0;
	s1 =	sshll.u32 s1, $0x11  }
0xbc: {  	s0 =	sor.u32 s1, s0  }
0xbd: {  	s0 =	sadd.s32 $0x8F2B, s0  }
0xbe: {  	[sflag:s0] =	ssyncadd.remote.s32 $0x1  }
0xbf: {  	_ =	sfence.sel $0xFFFF  }
0xc0: {  	[dreg:$0x0] =	wrdreg $0xFFFFFFFF;
	(pc) =	sbr.abs _section_cstart, $3  }
0xc1: {  	[dreg:$0x1] =	wrdreg $0xFFFFFFFF  }
0xc2: {  	_ =	task.clear_ibuf [dreg:s7], $0x2FFFF;
	_ =	strace $0x9FFFFFFF  }
0xc3: {  	(tm) =	ssettm $0x7FFFFFFF  }
tec
execute0_lowered:
.L_overlay_start_1:
0x0: {  	(tag) =	ssettag $0x1  }
0x1: {  	s1 =	rddreg [dreg:$0x0]  }
0x2: {  	s3 =	rddreg [dreg:$0x1]  }
0x3: {  	s4 =	rddreg [dreg:$0x2]  }
0x4: {  	s0 =	srdreg.scid;
	s7 =	stileid.u32  }
0x5: {  	s5 =	simm.s32 $0x0;
	s26 =	simm.s32 $0x280;
	s31 =	simm.s32 $0x380  }
0x6: {  	s28 =	simm.s32 $0x1;
	s29 =	simm.s32 $0x2;
	s2 =	smul.u32 $0x16800, s7  }
0x7: {  	s30 =	simm.s32 $0x0;
	s0 =	sand.u32 $0x1, s0;
	s10 =	smul.u32 $0xA0, s7  }
0x8: {  	[smem:$0x7FF] =	sst s5;
	s6 =	sadd.s32 $0x2D000, s1;
	s25 =	smul.u32 $0x5000, s7  }
0x9: {  	s9 =	sadd.s32 $0x37000, s1;
	s22 =	sshll.u32 s7, $0x6;
	s8 =	smul.u32 $0x168000, s0  }
0xa: {  	_ =	strace $0x80000047;
	[dreg:$0x7] =	wrdreg s9;
	s19 =	ssub.s32 $0x2, s0  }
0xb: {  	s12 =	sshll.u32 s0, $0x7;
	p0 =	seq.s32 s0, $0x0;
	[dreg:$0x5] =	wrdreg s26  }
0xc: {  	s0 =	sshll.u32 s0, $0xE;
	[dreg:$0x6] =	wrdreg s31;
	s26 =	simm.s32 $0x4C00  }
0xd: {  	s11 =	sshrl.u32 s19, $0x1;
	s10 =	sadd.s32 s12, s10;
	s17 =	sadd.s32 s2, s4  }
0xe: {  	s0 =	sadd.s32 s0, s25;
	s8 =	sadd.s32 s2, s8;
	s16 =	ssub.s32 s19, s11  }
0xf: {  	s12 =	sshll.u32 s10, $0x4;
	s11 =	sor.u32 $0x1C05, s22;
	s19 =	sshrl.u32 s17, $0x3  }
0x10: {  	s22 =	simm.s32 $0x80;
	s8 =	sshrl.u32 s8, $0x3;
	s20 =	sadd.s32 s3, s12  }
0x11: {  	s21 =	sadd.s32 s6, s12;
	s23 =	sor.u32 $0x20, s12;
	s16 =	smax.u32 s16, $0x1  }
0x12: {  	s15 =	sadd.s32 s8, s1;
	s8 =	simm.s32 $0x40;
	[dreg:$0x8] =	wrdreg s20  }
0x13: {  	[dreg:$0x9] =	wrdreg s21;
	s24 =	sadd.s32 s3, s23;
	s2 =	sadd.s32 s6, s23  }
0x14: {  	s20 =	simm.s32 $0x5;
	s21 =	simm.s32 $0x3;
	[dreg:$0xa] =	wrdreg s24  }
0x15: {  	s23 =	simm.s32 $0x400;
	s8 =	simm.s32 @!p0 $0x10;
	[dreg:$0xb] =	wrdreg s2  }
0x16: {  	s15 =	sadd.s32 $0x39E00, s15;
	s2 =	sor.u32 $0x200, s0;
	s18 =	sadd.s32 $0xFFFFFFFF, s8  }
0x17: {  	s14 =	sshrl.u32 s8, $0x1;
	[dreg:$0x4] =	wrdreg s18;
	s18 =	simm.s32 $0x200  }
.LBB2_1:
0x18: {  	s0 =	rddreg [dreg:$0x8]  }
0x19: {  	s7 =	rddreg [dreg:$0x9]  }
0x1a: {  	[tilespmem:s5], [sflag:$0x3] =	stream.linear.gather [hbm4b:s0+s5], $0x100, $0x38;
	[tilespmem:$0x1FC00] =	vst v63  }
0x1b: {  	s9 =	rddreg [dreg:$0x7]  }
0x1c: {  	[tilespmem:s18], [sflag:$0x3] =	stream.linear.gather [hbm4b:s7+s5], $0x100, $0x38;
	[tilespmem:$0x1FC00] =	vst v63  }
0x1d: {  	[spmem:s19], [sflag:s11] =	dma.local [hbm:s9], $0x2D00  }
0x1e: {  	_ =	swait.ge [sflag:s20], $0x2D00  }
0x1f: {  	[sflag:s20] =	ssyncset.done $0x0  }
0x20: {  	[sflag:s20] =	ssyncadd.s32 $0xFFFFD300  }
0x21: {  	_ =	swait.ge [sflag:s21], $0x100  }
0x22: {  	[sflag:s21] =	ssyncset.done $0x0  }
0x23: {  	[sflag:s21] =	ssyncadd.s32 $0xFFFFFF00  }
0x24: {  	_ =	swait.ge [sflag:s21], $0x100  }
0x25: {  	[sflag:s21] =	ssyncset.done $0x0  }
0x26: {  	[sflag:s21] =	ssyncadd.s32 $0xFFFFFF00  }
0x27: {  	[tilespmem:s23], [sflag:$0x1] =	stream.indirect.gather [hbm4b:s1+s22], $0x90, s5, s22, $0xb8;
	[tilespmem:$0x1FC00] =	vst v63  }
0x28: {  	s7 =	simm.s32 $0x100;
	s10 =	rddreg [dreg:$0xa]  }
0x29: {  	[tilespmem:s7], [sflag:$0x4] =	stream.linear.gather [hbm4b:s10+s5], $0x100, $0x38;
	[tilespmem:$0x1FC00] =	vst v63  }
0x2a: {  	s13 =	simm.s32 $0x300;
	s12 =	rddreg [dreg:$0xb]  }
0x2b: {  	[tilespmem:s13], [sflag:$0x4] =	stream.linear.gather [hbm4b:s12+s5], $0x100, $0x38;
	[tilespmem:$0x1FC00] =	vst v63  }
0x2c: {  	[bflag:$0x0] =	sbarrier.arrive $0xFFFF  }
0x2d: {  	[tilespmem:s26], [sflag:$0x2] =	stream.indirect.gather [hbm4b:s1+s22], $0x90, s22, s22, $0xb8;
	[tilespmem:$0x1FC00] =	vst v63  }
0x2e: {  	_ =	swait.ge [sflag:s28], $0x4800  }
0x2f: {  	[sflag:s28] =	ssyncset.done $0x0  }
0x30: {  	[sflag:s28] =	ssyncadd.s32 $0xFFFFB800  }
0x31: {  	[spmem:s4] =	stream.indirect.scatter.add.f32 [tilespmem:s23], [sflag:$0x5], $0x90, s18, s22, $0xb8;
	[tilespmem:$0x1FC00] =	vst v63  }
0x32: {  	_ =	swait.ge [sflag:s20], $0x4800  }
0x33: {  	s17 =	rddreg [dreg:$0x4]  }
0x34: {  	[sflag:s20] =	ssyncset.done $0x0;
	p0 =	sle.s32 s17, $0x0  }
0x35: {  	[sflag:s20] =	ssyncadd.s32 $0xFFFFB800;
	s0 =	simm.s32 @!p0 $0x4  }
0x36: {  	_ =	swait.ge @!p0 [sflag:s0], $0x100  }
0x37: {  	[sflag:s0] =	ssyncset.done @!p0 $0x0  }
0x38: {  	[sflag:s0] =	ssyncadd.s32 @!p0 $0xFFFFFF00  }
0x39: {  	_ =	swait.ge @!p0 [sflag:s0], $0x100  }
0x3a: {  	s17 =	simm.s32 @!p0 $0x400;
	[sflag:s0] =	ssyncset.done @!p0 $0x0  }
0x3b: {  	s24 =	simm.s32 @!p0 $0x100;
	[sflag:s0] =	ssyncadd.s32 @!p0 $0xFFFFFF00;
	s0 =	simm.s32 @!p0 $0x80  }
0x3c: {  	[tilespmem:s17], [sflag:$0x1] =	stream.indirect.gather @!p0 [hbm4b:s1+s0], $0x90, s24, s0, $0xb8;
	[tilespmem:$0x1FC00] =	vst v63  }
0x3d: {  	_ =	swait.ge [sflag:s29], $0x4800  }
0x3e: {  	[sflag:s29] =	ssyncset.done $0x0  }
0x3f: {  	s24 =	rddreg [dreg:$0x5];
	[sflag:s29] =	ssyncadd.s32 $0xFFFFB800  }
0x40: {  	[spmem:s4] =	stream.indirect.scatter.add.f32 [tilespmem:s26], [sflag:$0x5], $0x90, s24, s22, $0xb8;
	[tilespmem:$0x1FC00] =	vst v63  }
0x41: {  	p0 =	sle.u32 s8, $0x2;
	_ =	swait.ge [sflag:s20], $0x4800  }
0x42: {  	s0 =	simm.s32 @p0 $0x80;
	s17 =	simm.s32 @p0 $0x180;
	[sflag:s20] =	ssyncset.done $0x0  }
0x43: {  	s25 =	simm.s32 @p0 $0x1;
	s24 =	simm.s32 @p0 $0x4C00;
	[sflag:s20] =	ssyncadd.s32 $0xFFFFB800  }
0x44: {  	[tilespmem:s24], [sflag:$0x2] =	stream.indirect.gather @p0 [hbm4b:s1+s0], $0x90, s17, s0, $0xb8;
	[tilespmem:$0x1FC00] =	vst v63  }
0x45: {  	_ =	swait.ge @p0 [sflag:s25], $0x4800  }
0x46: {  	s17 =	simm.s32 @p0 $0x300;
	[sflag:s25] =	ssyncset.done @p0 $0x0  }
0x47: {  	s24 =	simm.s32 @p0 $0x400;
	[sflag:s25] =	ssyncadd.s32 @p0 $0xFFFFB800;
	s25 =	simm.s32 @p0 $0x5  }
0x48: {  	[spmem:s4] =	stream.indirect.scatter.add.f32 @p0 [tilespmem:s24], [sflag:$0x5], $0x90, s17, s0, $0xb8;
	[tilespmem:$0x1FC00] =	vst v63  }
0x49: {  	_ =	swait.ge @p0 [sflag:s25], $0x4800  }
0x4a: {  	s0 =	sshrl.u32 @!p0 s2, $0x3;
	[sflag:s25] =	ssyncset.done @p0 $0x0  }
0x4b: {  	s24 =	simm.s32 @!p0 $0x0;
	s17 =	sadd.s32 @!p0 s3, s0;
	[sflag:s25] =	ssyncadd.s32 @p0 $0xFFFFB800  }
0x4c: {  	[tilespmem:s24], [sflag:$0x3] =	stream.linear.gather @!p0 [hbm4b:s17+s24], $0x100, $0x38;
	[tilespmem:$0x1FC00] =	vst v63  }
0x4d: {  	s31 =	simm.s32 @!p0 $0x1;
	s0 =	sadd.s32 @!p0 s6, s0;
	s17 =	simm.s32 @!p0 $0x200  }
0x4e: {  	[tilespmem:s17], [sflag:$0x3] =	stream.linear.gather @!p0 [hbm4b:s0+s24], $0x100, $0x38;
	[tilespmem:$0x1FC00] =	vst v63  }
0x4f: {  	s25 =	simm.s32 @!p0 $0x80;
	s0 =	simm.s32 @!p0 $0x180;
	s17 =	simm.s32 @!p0 $0x4C00  }
0x50: {  	[tilespmem:s17], [sflag:$0x2] =	stream.indirect.gather @!p0 [hbm4b:s1+s25], $0x90, s0, s25, $0xb8;
	[tilespmem:$0x1FC00] =	vst v63  }
0x51: {  	_ =	swait.ge @!p0 [sflag:s31], $0x4800  }
0x52: {  	s0 =	simm.s32 @!p0 $0x300;
	[sflag:s31] =	ssyncset.done @!p0 $0x0  }
0x53: {  	s17 =	simm.s32 @!p0 $0x400;
	[sflag:s31] =	ssyncadd.s32 @!p0 $0xFFFFB800;
	s31 =	simm.s32 @!p0 $0x5  }
0x54: {  	[spmem:s4] =	stream.indirect.scatter.add.f32 @!p0 [tilespmem:s17], [sflag:$0x5], $0x90, s0, s25, $0xb8;
	[tilespmem:$0x1FC00] =	vst v63  }
0x55: {  	_ =	swait.ge @!p0 [sflag:s31], $0x4800  }
0x56: {  	[sflag:s31] =	ssyncset.done @!p0 $0x0  }
0x57: {  	s0 =	simm.s32 @!p0 $0x3;
	[sflag:s31] =	ssyncadd.s32 @!p0 $0xFFFFB800  }
0x58: {  	_ =	swait.ge @!p0 [sflag:s0], $0x100  }
0x59: {  	[sflag:s0] =	ssyncset.done @!p0 $0x0  }
0x5a: {  	[sflag:s0] =	ssyncadd.s32 @!p0 $0xFFFFFF00  }
0x5b: {  	_ =	swait.ge @!p0 [sflag:s0], $0x100  }
0x5c: {  	[sflag:s0] =	ssyncset.done @!p0 $0x0  }
0x5d: {  	[sflag:s0] =	ssyncadd.s32 @!p0 $0xFFFFFF00  }
0x5e: {  	[tilespmem:s17], [sflag:$0x1] =	stream.indirect.gather @!p0 [hbm4b:s1+s25], $0x90, s24, s25, $0xb8;
	[tilespmem:$0x1FC00] =	vst v63  }
0x5f: {  	_ =	swait.ge [sflag:s29], $0x4800  }
0x60: {  	p1 =	sle.u32 s8, $0x3;
	s31 =	sadd.s32 $0xFFFFFFFF, s14;
	[sflag:s29] =	ssyncset.done $0x0  }
0x61: {  	p0 =	sne.s32 s31, $0x0;
	s25 =	rddreg [dreg:$0x6];
	[sflag:s29] =	ssyncadd.s32 $0xFFFFB800  }
0x62: {  	[spmem:s4] =	stream.indirect.scatter.add.f32 [tilespmem:s26], [sflag:$0x5], $0x90, s25, s22, $0xb8;
	[tilespmem:$0x1FC00] =	vst v63  }
.Ltmp0:
0x63: {  	s0 =	sadd.s32 @!p1 $0x100, s2;
	_ =	swait.ge [sflag:s20], $0x4800;
	(pc) =	sbr.rel @!p0 .LBB2_3-.Ltmp0, $4  }
0x64: {  	s17 =	simm.s32 @!p1 $0x100;
	s25 =	sshrl.u32 @!p1 s0, $0x3;
	[sflag:s20] =	ssyncset.done $0x0  }
0x65: {  	s24 =	simm.s32 @!p1 $0x0;
	s0 =	sadd.s32 @!p1 s3, s25;
	[sflag:s20] =	ssyncadd.s32 $0xFFFFB800  }
0x66: {  	[tilespmem:s17], [sflag:$0x4] =	stream.linear.gather @!p1 [hbm4b:s0+s24], $0x100, $0x38;
	[tilespmem:$0x1FC00] =	vst v63  }
0x67: {  	s25 =	sadd.s32 @!p1 s6, s25;
	s0 =	simm.s32 $0x2;
	s17 =	smov.u32 s2  }
.LBB2_2:
0x68: {  	s7 =	simm.s32 @!p1 $0x300  }
0x69: {  	[tilespmem:s7], [sflag:$0x4] =	stream.linear.gather @!p1 [hbm4b:s25+s24], $0x100, $0x38;
	[tilespmem:$0x1FC00] =	vst v63  }
0x6a: {  	_ = 	snop  }
0x6b: {  	[tilespmem:s26], [sflag:$0x2] =	stream.indirect.gather [hbm4b:s1+s22], $0x90, s22, s22, $0xb8;
	[tilespmem:$0x1FC00] =	vst v63  }
0x6c: {  	_ =	swait.ge [sflag:s28], $0x4800  }
0x6d: {  	[sflag:s28] =	ssyncset.done $0x0  }
0x6e: {  	[sflag:s28] =	ssyncadd.s32 $0xFFFFB800  }
0x6f: {  	[spmem:s4] =	stream.indirect.scatter.add.f32 [tilespmem:s23], [sflag:$0x5], $0x90, s18, s22, $0xb8;
	[tilespmem:$0x1FC00] =	vst v63  }
0x70: {  	_ =	swait.ge [sflag:s20], $0x4800  }
0x71: {  	s10 =	rddreg [dreg:$0x4]  }
0x72: {  	[sflag:s20] =	ssyncset.done $0x0;
	p1 =	sge.s32 s0, s10  }
0x73: {  	[sflag:s20] =	ssyncadd.s32 $0xFFFFB800;
	s7 =	simm.s32 @!p1 $0x4  }
0x74: {  	_ =	swait.ge @!p1 [sflag:s7], $0x100  }
0x75: {  	[sflag:s7] =	ssyncset.done @!p1 $0x0  }
0x76: {  	[sflag:s7] =	ssyncadd.s32 @!p1 $0xFFFFFF00  }
0x77: {  	_ =	swait.ge @!p1 [sflag:s7], $0x100  }
0x78: {  	s25 =	simm.s32 @!p1 $0x400;
	[sflag:s7] =	ssyncset.done @!p1 $0x0  }
0x79: {  	s9 =	simm.s32 @!p1 $0x100;
	[sflag:s7] =	ssyncadd.s32 @!p1 $0xFFFFFF00;
	s7 =	simm.s32 @!p1 $0x80  }
0x7a: {  	[tilespmem:s25], [sflag:$0x1] =	stream.indirect.gather @!p1 [hbm4b:s1+s7], $0x90, s9, s7, $0xb8;
	[tilespmem:$0x1FC00] =	vst v63  }
0x7b: {  	_ =	swait.ge [sflag:s29], $0x4800  }
0x7c: {  	s24 =	smov.u32 s0;
	[sflag:s29] =	ssyncset.done $0x0  }
0x7d: {  	s0 =	sadd.s32 $0x2, s0;
	s12 =	rddreg [dreg:$0x5];
	[sflag:s29] =	ssyncadd.s32 $0xFFFFB800  }
0x7e: {  	[spmem:s4] =	stream.indirect.scatter.add.f32 [tilespmem:s26], [sflag:$0x5], $0x90, s12, s22, $0xb8;
	[tilespmem:$0x1FC00] =	vst v63  }
0x7f: {  	p1 =	sge.u32 s0, s8;
	_ =	swait.ge [sflag:s20], $0x4800  }
0x80: {  	s7 =	simm.s32 @p1 $0x80;
	s9 =	simm.s32 @p1 $0x180;
	[sflag:s20] =	ssyncset.done $0x0  }
0x81: {  	s25 =	simm.s32 @p1 $0x4C00;
	s10 =	simm.s32 @p1 $0x1;
	[sflag:s20] =	ssyncadd.s32 $0xFFFFB800  }
0x82: {  	[tilespmem:s25], [sflag:$0x2] =	stream.indirect.gather @p1 [hbm4b:s1+s7], $0x90, s9, s7, $0xb8;
	[tilespmem:$0x1FC00] =	vst v63  }
0x83: {  	_ =	swait.ge @p1 [sflag:s10], $0x4800  }
0x84: {  	s13 =	simm.s32 @p1 $0x400;
	[sflag:s10] =	ssyncset.done @p1 $0x0  }
0x85: {  	s25 =	simm.s32 @p1 $0x300;
	[sflag:s10] =	ssyncadd.s32 @p1 $0xFFFFB800;
	s10 =	simm.s32 @p1 $0x5  }
0x86: {  	[spmem:s4] =	stream.indirect.scatter.add.f32 @p1 [tilespmem:s13], [sflag:$0x5], $0x90, s25, s7, $0xb8;
	[tilespmem:$0x1FC00] =	vst v63  }
0x87: {  	s17 =	sadd.s32 $0x200, s17;
	_ =	swait.ge @p1 [sflag:s10], $0x4800  }
0x88: {  	s12 =	sshrl.u32 @!p1 s17, $0x3;
	[sflag:s10] =	ssyncset.done @p1 $0x0  }
0x89: {  	s9 =	sadd.s32 @!p1 s3, s12;
	s7 =	simm.s32 @!p1 $0x0;
	[sflag:s10] =	ssyncadd.s32 @p1 $0xFFFFB800  }
0x8a: {  	[tilespmem:s7], [sflag:$0x3] =	stream.linear.gather @!p1 [hbm4b:s9+s7], $0x100, $0x38;
	[tilespmem:$0x1FC00] =	vst v63  }
0x8b: {  	s12 =	sadd.s32 @!p1 s6, s12;
	s13 =	simm.s32 @!p1 $0x180;
	s10 =	simm.s32 @!p1 $0x200  }
0x8c: {  	[tilespmem:s10], [sflag:$0x3] =	stream.linear.gather @!p1 [hbm4b:s12+s7], $0x100, $0x38;
	[tilespmem:$0x1FC00] =	vst v63  }
0x8d: {  	s25 =	simm.s32 @!p1 $0x4C00;
	s9 =	simm.s32 @!p1 $0x80;
	s10 =	simm.s32 @!p1 $0x1  }
0x8e: {  	[tilespmem:s25], [sflag:$0x2] =	stream.indirect.gather @!p1 [hbm4b:s1+s9], $0x90, s13, s9, $0xb8;
	[tilespmem:$0x1FC00] =	vst v63  }
0x8f: {  	_ =	swait.ge @!p1 [sflag:s10], $0x4800  }
0x90: {  	s12 =	simm.s32 @!p1 $0x300;
	[sflag:s10] =	ssyncset.done @!p1 $0x0  }
0x91: {  	s13 =	simm.s32 @!p1 $0x400;
	[sflag:s10] =	ssyncadd.s32 @!p1 $0xFFFFB800;
	s10 =	simm.s32 @!p1 $0x5  }
0x92: {  	[spmem:s4] =	stream.indirect.scatter.add.f32 @!p1 [tilespmem:s13], [sflag:$0x5], $0x90, s12, s9, $0xb8;
	[tilespmem:$0x1FC00] =	vst v63  }
0x93: {  	_ =	swait.ge @!p1 [sflag:s10], $0x4800  }
0x94: {  	[sflag:s10] =	ssyncset.done @!p1 $0x0  }
0x95: {  	s12 =	simm.s32 @!p1 $0x3;
	[sflag:s10] =	ssyncadd.s32 @!p1 $0xFFFFB800  }
0x96: {  	_ =	swait.ge @!p1 [sflag:s12], $0x100  }
0x97: {  	[sflag:s12] =	ssyncset.done @!p1 $0x0  }
0x98: {  	[sflag:s12] =	ssyncadd.s32 @!p1 $0xFFFFFF00  }
0x99: {  	_ =	swait.ge @!p1 [sflag:s12], $0x100  }
0x9a: {  	[sflag:s12] =	ssyncset.done @!p1 $0x0  }
0x9b: {  	[sflag:s12] =	ssyncadd.s32 @!p1 $0xFFFFFF00  }
0x9c: {  	[tilespmem:s13], [sflag:$0x1] =	stream.indirect.gather @!p1 [hbm4b:s1+s9], $0x90, s7, s9, $0xb8;
	[tilespmem:$0x1FC00] =	vst v63  }
0x9d: {  	s31 =	sadd.s32 $0xFFFFFFFF, s31;
	_ =	swait.ge [sflag:s29], $0x4800  }
0x9e: {  	p0 =	sne.s32 s31, $0x0;
	[sflag:s29] =	ssyncset.done $0x0  }
0x9f: {  	s25 =	sadd.s32 $0x3, s24;
	s13 =	rddreg [dreg:$0x6];
	[sflag:s29] =	ssyncadd.s32 $0xFFFFB800  }
0xa0: {  	[spmem:s4] =	stream.indirect.scatter.add.f32 [tilespmem:s26], [sflag:$0x5], $0x90, s13, s22, $0xb8;
	[tilespmem:$0x1FC00] =	vst v63  }
.Ltmp1:
0xa1: {  	p1 =	sge.u32 s25, s8;
	(pc) =	sbr.rel @p0 .LBB2_2-.Ltmp1, $4  }
0xa2: {  	s7 =	sadd.s32 @!p1 $0x100, s17;
	s9 =	simm.s32 @!p1 $0x100;
	_ =	swait.ge [sflag:s20], $0x4800  }
0xa3: {  	s24 =	simm.s32 @!p1 $0x0;
	s7 =	sshrl.u32 @!p1 s7, $0x3;
	[sflag:s20] =	ssyncset.done $0x0  }
0xa4: {  	s10 =	sadd.s32 @!p1 s3, s7;
	s25 =	sadd.s32 @!p1 s6, s7;
	[sflag:s20] =	ssyncadd.s32 $0xFFFFB800  }
0xa5: {  	[tilespmem:s9], [sflag:$0x4] =	stream.linear.gather @!p1 [hbm4b:s10+s24], $0x100, $0x38;
	[tilespmem:$0x1FC00] =	vst v63  }
.LBB2_3:
0xa6: {  	s0 =	simm.s32 @!p1 $0x300;
	s30 =	sadd.s32 $0x1, s30  }
0xa7: {  	[tilespmem:s0], [sflag:$0x4] =	stream.linear.gather @!p1 [hbm4b:s25+s24], $0x100, $0x38;
	[tilespmem:$0x1FC00] =	vst v63  }
0xa8: {  	p0 =	sne.s32 s30, s16  }
.Ltmp2:
0xa9: {  	[bflag:$0x0] =	sbarrier.arrive $0xFFFF;
	(pc) =	sbr.rel @p0 .LBB2_1-.Ltmp2, $4  }
0xaa: {  	[hbm:s15], [sflag:s11] =	dma.local [spmem:s19], $0x2D00  }
0xab: {  	_ =	swait.ge [sflag:s20], $0x2D00  }
0xac: {  	[sflag:s20] =	ssyncset.done $0x0  }
0xad: {  	[sflag:s20] =	ssyncadd.s32 $0xFFFFD300  }
0xae: {  	_ =	sfence.sel $0x180000  }
0xaf: {  	[bflag:$0x0] =	sbarrier.arrive $0xFFFF  }
0xb0: {  	_ =	strace $0x90000047  }
0xb1: {  	s0 =	stileid.u32;
	[bflag:$0x2] =	sbarrier.arrive $0xFFFF  }
0xb2: {  	p0 =	sne.s32 s0, $0x0;
	s0 =	rddreg [dreg:$0x3]  }
0xb3: {  	s0 =	sadd.s32 @!p0 $0x100000, s0  }
0xb4: {  	[sflag:s0] =	ssyncadd.tile.s32 @!p0 $0x1;
	_ =	shalt  }
.Lfunc_end2:
_tile_overlayer_lowered:
.L_overlay_start_2:
0xb5: {  	(tag) =	ssettag $0x2  }
0xb6: {  	s0 =	rddreg [dreg:$0x0];
	s2 =	stileid.u32  }
0xb7: {  	s1 =	rddreg [dreg:$0x1];
	p0 =	sne.s32 s2, $0x0  }
0xb8: {  	s3 =	rddreg [dreg:$0x2];
	[bflag:$0x3] =	sbarrier.arrive $0xFFFF;
	s2 =	simm.s32 @!p0 $0x1C05  }
0xb9: {  	[timem:s3], [sflag:s2] =	dma.local @!p0 [hbm:s0], s1  }
0xba: {  	s0 =	simm.s32 @!p0 $0x5  }
0xbb: {  	_ =	swait.ge @!p0 [sflag:s0], s1  }
0xbc: {  	s1 =	ssub.s32 @!p0 $0x0, s1;
	[sflag:s0] =	ssyncset.done @!p0 $0x0  }
0xbd: {  	[sflag:s0] =	ssyncadd.s32 @!p0 s1  }
0xbe: {  	[bflag:$0x3] =	sbarrier.arrive $0xFFFF  }
0xbf: {  	_ =	shalt  }

</sc_bundles>
